<compile_context>
chip_gen: v7x
topology: tpu7x:2x2x1
jax: 0.10.2.dev20260603
libtpu: 0.0.44.dev20260713+nightly
codegen_flags: <defaults>
</compile_context>

<pallas_src>
import functools

import jax
import jax.numpy as jnp
from jax import lax
from jax.experimental import pallas as pl
from jax.experimental.pallas import tpu as pltpu
from jax.experimental.pallas import tpu_sc as plsc

N = 4096
F = 512
K = 1024
INT_MIN = -2147483648


def _lane_cumsum(x):
    lane = jax.lax.broadcasted_iota(jnp.int32, x.shape, 1)
    s = 1
    while s < x.shape[1]:
        r = pltpu.roll(x, s, 1)
        x = x + jnp.where(lane >= s, r, jnp.zeros_like(x))
        s *= 2
    return x


def _score_kernel(xt_ref, w_ref, y_ref):
    w = w_ref[...]
    rn = jax.lax.rsqrt(jnp.maximum(jnp.sum(w * w), 1e-12))
    y_ref[...] = jax.lax.dot_general(
        w * rn, xt_ref[...], (((1,), (0,)), ((), ())),
        preferred_element_type=jnp.float32,
    )


def _topk_kernel(y_ref, s_ref, idx_ref, spool_ref):
    yt = y_ref[...]
    b = jax.lax.bitcast_convert_type(yt, jnp.int32)
    skey = b ^ (jax.lax.shift_right_arithmetic(b, 31) & jnp.int32(0x7FFFFFFF))
    u = skey ^ INT_MIN

    binrow = jax.lax.broadcasted_iota(jnp.int32, (256, N), 0)
    active = jnp.ones_like(u, dtype=jnp.bool_)
    gtmask = jnp.zeros_like(active)
    kcur = jnp.int32(K)
    for sh in (24, 16, 8, 0):
        byte = jax.lax.shift_right_logical(u, sh) & 255
        ge_hits = active & (byte >= binrow)
        cnts_ge = jnp.sum(ge_hits.astype(jnp.int32), axis=1, keepdims=True)
        bidx = jax.lax.broadcasted_iota(jnp.int32, (256, 1), 0)
        bstar = jnp.max(jnp.where(cnts_ge >= kcur, bidx, -1))
        gt_here = active & (byte > bstar)
        kcur = kcur - jnp.sum(jnp.where(gt_here, 1, 0))
        gtmask = gtmask | gt_here
        active = active & (byte == bstar)

    csum_eq = _lane_cumsum(jnp.where(active, 1, 0))
    mask = gtmask | (active & (csum_eq <= kcur))

    pos = _lane_cumsum(jnp.where(mask, 1, 0)) - 1
    lane_i = jax.lax.broadcasted_iota(jnp.int32, (1, N), 1)
    s_row = s_ref[...]
    CH = 128

    def chunk(c, _):
        prow = jax.lax.broadcasted_iota(jnp.int32, (CH, N), 0) + c * CH
        selc = (pos == prow) & mask
        idx_c = jnp.max(jnp.where(selc, lane_i, -1), axis=1, keepdims=True)
        sp_c = jnp.max(jnp.where(selc, s_row, -1), axis=1, keepdims=True)
        idx_ref[pl.ds(c * CH, CH), :] = idx_c
        spool_ref[pl.ds(c * CH, CH), :] = sp_c
        return 0

    jax.lax.fori_loop(0, K // CH, chunk, 0)


def _feat_kernel(x_ref, y_ref, o_ref):
    o_ref[...] = x_ref[...] * jnp.tanh(y_ref[...])


def _transpose_kernel(a_ref, o_ref):
    o_ref[...] = a_ref[...].T


def _sc_gather_rows(table, idx, D, CH):
    BPW = K // 32
    mesh = plsc.VectorSubcoreMesh(core_axis_name="c", subcore_axis_name="s")

    @functools.partial(
        pl.kernel,
        mesh=mesh,
        out_type=jax.ShapeDtypeStruct((K, D), jnp.float32),
        scratch_types=[
            pltpu.VMEM((BPW,), jnp.int32),
            pltpu.VMEM((CH, D), jnp.float32),
            pltpu.SemaphoreType.DMA,
        ],
    )
    def gk(table_hbm, idx_hbm, out_hbm, idx_v, rows_v, sem):
        wid = lax.axis_index("s") * 2 + lax.axis_index("c")
        base = wid * BPW
        pltpu.sync_copy(idx_hbm.at[pl.ds(base, BPW)], idx_v)
        for c in range(BPW // CH):
            pltpu.async_copy(
                table_hbm.at[idx_v.at[pl.ds(c * CH, CH)]], rows_v, sem
            ).wait()
            pltpu.sync_copy(rows_v, out_hbm.at[pl.ds(base + c * CH, CH)])

    return gk(table, idx)


def _mt_kernel(a_ref, ar_ref, o_ref):
    @pl.when(pl.program_id(1) == 0)
    def _():
        o_ref[...] = jnp.zeros_like(o_ref)

    o_ref[...] += jax.lax.dot_general(
        a_ref[...], ar_ref[...], (((0,), (1,)), ((), ())),
        preferred_element_type=jnp.float32,
    )


def kernel(X, A, S, kernel):
    XT = X.T
    w_row = kernel.reshape(1, F)
    s_row = S.reshape(1, N)

    yt = pl.pallas_call(
        _score_kernel,
        grid=(4,),
        in_specs=[
            pl.BlockSpec((F, N // 4), lambda i: (0, i)),
            pl.BlockSpec((1, F), lambda i: (0, 0)),
        ],
        out_specs=pl.BlockSpec((1, N // 4), lambda i: (0, i)),
        out_shape=jax.ShapeDtypeStruct((1, N), jnp.float32),
    )(XT, w_row)

    idx2, s_pool2 = pl.pallas_call(
        _topk_kernel,
        out_shape=(
            jax.ShapeDtypeStruct((K, 1), jnp.int32),
            jax.ShapeDtypeStruct((K, 1), jnp.int32),
        ),
    )(yt, s_row)
    idx = idx2.reshape(K)
    S_pooled = s_pool2.reshape(K).astype(S.dtype)

    Ar = _sc_gather_rows(A, idx, N, 8)

    Mt = pl.pallas_call(
        _mt_kernel,
        grid=(8, 4),
        in_specs=[
            pl.BlockSpec((N // 4, N // 8), lambda c, k: (k, c)),
            pl.BlockSpec((K, N // 4), lambda c, k: (0, k)),
        ],
        out_specs=pl.BlockSpec((N // 8, K), lambda c, k: (c, 0)),
        out_shape=jax.ShapeDtypeStruct((N, K), jnp.float32),
    )(A, Ar)

    ApT = _sc_gather_rows(Mt, idx, K, 32)

    A_pooled = pl.pallas_call(
        _transpose_kernel,
        grid=(4, 4),
        in_specs=[pl.BlockSpec((256, 256), lambda i, j: (i, j))],
        out_specs=pl.BlockSpec((256, 256), lambda i, j: (j, i)),
        out_shape=jax.ShapeDtypeStruct((K, K), jnp.float32),
    )(ApT)

    y_col = yt.reshape(N, 1)
    feat = pl.pallas_call(
        _feat_kernel,
        grid=(16,),
        in_specs=[
            pl.BlockSpec((N // 16, F), lambda i: (i, 0)),
            pl.BlockSpec((N // 16, 1), lambda i: (i, 0)),
        ],
        out_specs=pl.BlockSpec((N // 16, F), lambda i: (i, 0)),
        out_shape=jax.ShapeDtypeStruct((N, F), jnp.float32),
    )(X, y_col)
    X_pooled = _sc_gather_rows(feat, idx, F, 32)

    return X_pooled, A_pooled, S_pooled

# --- scband reference (transcript-rebuilt; emitter-appended) ---
"""Pipeline reference for scband-top-kpool-24824910970968 (READ-ONLY COPY).

The authoritative reference and input builder live on the scoring server;
editing this copy changes nothing except your own understanding.
"""

import jax, jax.numpy as jnp
import numpy as np

K_POOL = 1024
N_NODES = 4096
F_DIM = 512


def setup_inputs(seed: int = 0) -> dict:
    key = jax.random.key(seed)
    k1, k2, k3, k4 = jax.random.split(key, 4)
    X = jax.random.normal(k1, (N_NODES, F_DIM), dtype=jnp.float32)
    A = jax.random.uniform(k2, (N_NODES, N_NODES), dtype=jnp.float32)
    S = jnp.sort(jax.random.randint(k3, (N_NODES,), 0, 16, dtype=jnp.int32))
    kernel = jax.random.normal(k4, (F_DIM, 1), dtype=jnp.float32) * 0.05
    return {"X": X, "A": A, "S": S, "kernel": kernel}


def reference(X, A, S, kernel):
    # y = X @ l2_normalize(kernel)  (normalize over the whole (F,1) kernel, as tf.nn.l2_normalize with axis=None)
    kn = kernel * jax.lax.rsqrt(jnp.maximum(jnp.sum(jnp.square(kernel)), 1e-12))
    y = X @ kn  # [N, 1]
    scores = jnp.squeeze(y, axis=-1)  # [N]
    # top-k node selection; boolean_mask keeps selected rows in original index order,
    # which equals gathering at the sorted top-k indices
    _, idx = jax.lax.top_k(scores, K_POOL)
    idx = jnp.sort(idx)
    # gated features
    features = X * jnp.tanh(y)  # [N, F]
    X_pooled = jnp.take(features, idx, axis=0)  # [k, F]
    # A^2 to preserve connectivity, then pool rows and cols
    A2 = A @ A  # [N, N]
    A_pooled = jnp.take(jnp.take(A2, idx, axis=0), idx, axis=1)  # [k, k]
    S_pooled = jnp.take(S, idx, axis=0)  # [k]
    return X_pooled, A_pooled, S_pooled

if __name__ == "__main__":
    import jax
    _d = setup_inputs()
    print(jax.jit(kernel)(*tuple(_d.values())))

</pallas_src>

<mosaic_0001>
#map = affine_map<(d0, d1) -> (0, 0)>
#map1 = affine_map<(d0, d1) -> (0)>
module attributes {stable_mosaic.version = 14 : i64} {
  func.func @gk(%arg0: i32, %arg1: i32, %arg2: memref<4096x512xf32, #tpu.memory_space<hbm>>, %arg3: memref<1024xi32, #tpu.memory_space<hbm>>, %arg4: memref<1024x512xf32, #tpu.memory_space<hbm>>, %arg5: memref<32xi32, #tpu.memory_space<vmem>>, %arg6: memref<32x512xf32, #tpu.memory_space<vmem>>, %arg7: memref<!tpu.dma_semaphore, #tpu.memory_space<semaphore_mem>>) attributes {dimension_semantics = [#tpu.dimension_semantics<core_parallel>, #tpu.dimension_semantics<subcore_parallel>], iteration_bounds = array<i64: 2, 16>, scalar_prefetch = 0 : i64, scratch_operands = 3 : i64, tpu.core_type = #tpu.core_type<sc_vector_subcore>, window_params = [{transform_indices = #map}, {transform_indices = #map1}, {transform_indices = #map}]} {
    %mul3A = arith.constant 2 : i32
    %mul3A_0 = arith.muli %arg1, %mul3A : i32
    %add3A = arith.addi %mul3A_0, %arg0 : i32
    %mul3A_1 = arith.constant 32 : i32
    %mul3A_2 = arith.muli %add3A, %mul3A_1 : i32
    "tpu.region"() ({
      %run_scoped3A = tpu.sem_alloc : memref<!tpu.dma_semaphore, #tpu.memory_space<semaphore_mem>>
      %dma_start3A_13 = tpu.memref_slice %arg3[%mul3A_2] : memref<1024xi32, #tpu.memory_space<hbm>> -> memref<32xi32, #tpu.memory_space<hbm>>
      %dma_start3A_14 = tpu.memref_slice %arg3[%mul3A_2] : memref<1024xi32, #tpu.memory_space<hbm>> -> memref<32xi32, #tpu.memory_space<hbm>>
      tpu.enqueue_dma source(%dma_start3A_14 : memref<32xi32, #tpu.memory_space<hbm>>) target(%arg5 : memref<32xi32, #tpu.memory_space<vmem>>) target_semaphore(%run_scoped3A : memref<!tpu.dma_semaphore, #tpu.memory_space<semaphore_mem>>)
      %dma_wait3A_15 = tpu.memref_slice %arg3[%mul3A_2] : memref<1024xi32, #tpu.memory_space<hbm>> -> memref<32xi32, #tpu.memory_space<hbm>>
      %dma_wait3A_16 = tpu.memref_slice %arg3[%mul3A_2] : memref<1024xi32, #tpu.memory_space<hbm>> -> memref<32xi32, #tpu.memory_space<hbm>>
      tpu.wait_dma2 semaphore(%run_scoped3A : memref<!tpu.dma_semaphore, #tpu.memory_space<semaphore_mem>>) src(%dma_wait3A_16 : memref<32xi32, #tpu.memory_space<hbm>>) dst(%arg5 : memref<32xi32, #tpu.memory_space<vmem>>)
      tpu.yield
    }) : () -> ()
    %dma_start3A = arith.constant 0 : i32
    %dma_start3A_3 = tpu.memref_slice %arg5[%dma_start3A] : memref<32xi32, #tpu.memory_space<vmem>> -> memref<32xi32, #tpu.memory_space<vmem>>
    %dma_start3A_4 = arith.constant 0 : i32
    %dma_start3A_5 = arith.constant 0 : i32
    %dma_start3A_6 = tpu.memref_slice %arg2[%dma_start3A_4, %dma_start3A_5] : memref<4096x512xf32, #tpu.memory_space<hbm>> -> memref<4096x512xf32, #tpu.memory_space<hbm>>
    tpu.enqueue_indirect_dma source(%dma_start3A_6 : memref<4096x512xf32, #tpu.memory_space<hbm>>) target(%arg6 : memref<32x512xf32, #tpu.memory_space<vmem>>) offsets(%dma_start3A_3 : memref<32xi32, #tpu.memory_space<vmem>>) semaphore(%arg7 : memref<!tpu.dma_semaphore, #tpu.memory_space<semaphore_mem>>)
    %dma_wait3A = arith.constant 0 : i32
    %dma_wait3A_7 = tpu.memref_slice %arg5[%dma_wait3A] : memref<32xi32, #tpu.memory_space<vmem>> -> memref<32xi32, #tpu.memory_space<vmem>>
    %dma_wait3A_8 = arith.constant 0 : i32
    %dma_wait3A_9 = arith.constant 0 : i32
    %dma_wait3A_10 = tpu.memref_slice %arg2[%dma_wait3A_8, %dma_wait3A_9] : memref<4096x512xf32, #tpu.memory_space<hbm>> -> memref<4096x512xf32, #tpu.memory_space<hbm>>
    tpu.wait_indirect_dma semaphore(%arg7 : memref<!tpu.dma_semaphore, #tpu.memory_space<semaphore_mem>>) src(%dma_wait3A_10 : memref<4096x512xf32, #tpu.memory_space<hbm>>) dst(%arg6 : memref<32x512xf32, #tpu.memory_space<vmem>>)
    %add3A_11 = arith.constant 0 : i32
    %add3A_12 = arith.addi %mul3A_2, %add3A_11 : i32
    "tpu.region"() ({
      %run_scoped3A = tpu.sem_alloc : memref<!tpu.dma_semaphore, #tpu.memory_space<semaphore_mem>>
      %dma_start3A_13 = arith.constant 0 : i32
      %dma_start3A_14 = tpu.memref_slice %arg4[%add3A_12, %dma_start3A_13] : memref<1024x512xf32, #tpu.memory_space<hbm>> -> memref<32x512xf32, #tpu.memory_space<hbm>>
      %dma_start3A_15 = arith.constant 0 : i32
      %dma_start3A_16 = tpu.memref_slice %arg4[%add3A_12, %dma_start3A_15] : memref<1024x512xf32, #tpu.memory_space<hbm>> -> memref<32x512xf32, #tpu.memory_space<hbm>>
      tpu.enqueue_dma source(%arg6 : memref<32x512xf32, #tpu.memory_space<vmem>>) target(%dma_start3A_16 : memref<32x512xf32, #tpu.memory_space<hbm>>) target_semaphore(%run_scoped3A : memref<!tpu.dma_semaphore, #tpu.memory_space<semaphore_mem>>)
      %dma_wait3A_17 = arith.constant 0 : i32
      %dma_wait3A_18 = tpu.memref_slice %arg4[%add3A_12, %dma_wait3A_17] : memref<1024x512xf32, #tpu.memory_space<hbm>> -> memref<32x512xf32, #tpu.memory_space<hbm>>
      %dma_wait3A_19 = arith.constant 0 : i32
      %dma_wait3A_20 = tpu.memref_slice %arg4[%add3A_12, %dma_wait3A_19] : memref<1024x512xf32, #tpu.memory_space<hbm>> -> memref<32x512xf32, #tpu.memory_space<hbm>>
      tpu.wait_dma2 semaphore(%run_scoped3A : memref<!tpu.dma_semaphore, #tpu.memory_space<semaphore_mem>>) src(%arg6 : memref<32x512xf32, #tpu.memory_space<vmem>>) dst(%dma_wait3A_20 : memref<32x512xf32, #tpu.memory_space<hbm>>)
      tpu.yield
    }) : () -> ()
    return
  }
}

#map = affine_map<(d0, d1) -> (0, 0)>
#map1 = affine_map<(d0, d1) -> (0)>
module attributes {stable_mosaic.version = 14 : i64} {
  func.func @gk(%arg0: i32, %arg1: i32, %arg2: memref<4096x4096xf32, #tpu.memory_space<hbm>>, %arg3: memref<1024xi32, #tpu.memory_space<hbm>>, %arg4: memref<1024x4096xf32, #tpu.memory_space<hbm>>, %arg5: memref<32xi32, #tpu.memory_space<vmem>>, %arg6: memref<8x4096xf32, #tpu.memory_space<vmem>>, %arg7: memref<!tpu.dma_semaphore, #tpu.memory_space<semaphore_mem>>) attributes {dimension_semantics = [#tpu.dimension_semantics<core_parallel>, #tpu.dimension_semantics<subcore_parallel>], iteration_bounds = array<i64: 2, 16>, scalar_prefetch = 0 : i64, scratch_operands = 3 : i64, tpu.core_type = #tpu.core_type<sc_vector_subcore>, window_params = [{transform_indices = #map}, {transform_indices = #map1}, {transform_indices = #map}]} {
    %mul3A = arith.constant 2 : i32
    %mul3A_0 = arith.muli %arg1, %mul3A : i32
    %add3A = arith.addi %mul3A_0, %arg0 : i32
    %mul3A_1 = arith.constant 32 : i32
    %mul3A_2 = arith.muli %add3A, %mul3A_1 : i32
    "tpu.region"() ({
      %run_scoped3A = tpu.sem_alloc : memref<!tpu.dma_semaphore, #tpu.memory_space<semaphore_mem>>
      %dma_start3A_49 = tpu.memref_slice %arg3[%mul3A_2] : memref<1024xi32, #tpu.memory_space<hbm>> -> memref<32xi32, #tpu.memory_space<hbm>>
      %dma_start3A_50 = tpu.memref_slice %arg3[%mul3A_2] : memref<1024xi32, #tpu.memory_space<hbm>> -> memref<32xi32, #tpu.memory_space<hbm>>
      tpu.enqueue_dma source(%dma_start3A_50 : memref<32xi32, #tpu.memory_space<hbm>>) target(%arg5 : memref<32xi32, #tpu.memory_space<vmem>>) target_semaphore(%run_scoped3A : memref<!tpu.dma_semaphore, #tpu.memory_space<semaphore_mem>>)
      %dma_wait3A_51 = tpu.memref_slice %arg3[%mul3A_2] : memref<1024xi32, #tpu.memory_space<hbm>> -> memref<32xi32, #tpu.memory_space<hbm>>
      %dma_wait3A_52 = tpu.memref_slice %arg3[%mul3A_2] : memref<1024xi32, #tpu.memory_space<hbm>> -> memref<32xi32, #tpu.memory_space<hbm>>
      tpu.wait_dma2 semaphore(%run_scoped3A : memref<!tpu.dma_semaphore, #tpu.memory_space<semaphore_mem>>) src(%dma_wait3A_52 : memref<32xi32, #tpu.memory_space<hbm>>) dst(%arg5 : memref<32xi32, #tpu.memory_space<vmem>>)
      tpu.yield
    }) : () -> ()
    %dma_start3A = arith.constant 0 : i32
    %dma_start3A_3 = tpu.memref_slice %arg5[%dma_start3A] : memref<32xi32, #tpu.memory_space<vmem>> -> memref<8xi32, #tpu.memory_space<vmem>>
    %dma_start3A_4 = arith.constant 0 : i32
    %dma_start3A_5 = arith.constant 0 : i32
    %dma_start3A_6 = tpu.memref_slice %arg2[%dma_start3A_4, %dma_start3A_5] : memref<4096x4096xf32, #tpu.memory_space<hbm>> -> memref<4096x4096xf32, #tpu.memory_space<hbm>>
    tpu.enqueue_indirect_dma source(%dma_start3A_6 : memref<4096x4096xf32, #tpu.memory_space<hbm>>) target(%arg6 : memref<8x4096xf32, #tpu.memory_space<vmem>>) offsets(%dma_start3A_3 : memref<8xi32, #tpu.memory_space<vmem>>) semaphore(%arg7 : memref<!tpu.dma_semaphore, #tpu.memory_space<semaphore_mem>>)
    %dma_wait3A = arith.constant 0 : i32
    %dma_wait3A_7 = tpu.memref_slice %arg5[%dma_wait3A] : memref<32xi32, #tpu.memory_space<vmem>> -> memref<8xi32, #tpu.memory_space<vmem>>
    %dma_wait3A_8 = arith.constant 0 : i32
    %dma_wait3A_9 = arith.constant 0 : i32
    %dma_wait3A_10 = tpu.memref_slice %arg2[%dma_wait3A_8, %dma_wait3A_9] : memref<4096x4096xf32, #tpu.memory_space<hbm>> -> memref<4096x4096xf32, #tpu.memory_space<hbm>>
    tpu.wait_indirect_dma semaphore(%arg7 : memref<!tpu.dma_semaphore, #tpu.memory_space<semaphore_mem>>) src(%dma_wait3A_10 : memref<4096x4096xf32, #tpu.memory_space<hbm>>) dst(%arg6 : memref<8x4096xf32, #tpu.memory_space<vmem>>)
    %add3A_11 = arith.constant 0 : i32
    %add3A_12 = arith.addi %mul3A_2, %add3A_11 : i32
    "tpu.region"() ({
      %run_scoped3A = tpu.sem_alloc : memref<!tpu.dma_semaphore, #tpu.memory_space<semaphore_mem>>
      %dma_start3A_49 = arith.constant 0 : i32
      %dma_start3A_50 = tpu.memref_slice %arg4[%add3A_12, %dma_start3A_49] : memref<1024x4096xf32, #tpu.memory_space<hbm>> -> memref<8x4096xf32, #tpu.memory_space<hbm>>
      %dma_start3A_51 = arith.constant 0 : i32
      %dma_start3A_52 = tpu.memref_slice %arg4[%add3A_12, %dma_start3A_51] : memref<1024x4096xf32, #tpu.memory_space<hbm>> -> memref<8x4096xf32, #tpu.memory_space<hbm>>
      tpu.enqueue_dma source(%arg6 : memref<8x4096xf32, #tpu.memory_space<vmem>>) target(%dma_start3A_52 : memref<8x4096xf32, #tpu.memory_space<hbm>>) target_semaphore(%run_scoped3A : memref<!tpu.dma_semaphore, #tpu.memory_space<semaphore_mem>>)
      %dma_wait3A_53 = arith.constant 0 : i32
      %dma_wait3A_54 = tpu.memref_slice %arg4[%add3A_12, %dma_wait3A_53] : memref<1024x4096xf32, #tpu.memory_space<hbm>> -> memref<8x4096xf32, #tpu.memory_space<hbm>>
      %dma_wait3A_55 = arith.constant 0 : i32
      %dma_wait3A_56 = tpu.memref_slice %arg4[%add3A_12, %dma_wait3A_55] : memref<1024x4096xf32, #tpu.memory_space<hbm>> -> memref<8x4096xf32, #tpu.memory_space<hbm>>
      tpu.wait_dma2 semaphore(%run_scoped3A : memref<!tpu.dma_semaphore, #tpu.memory_space<semaphore_mem>>) src(%arg6 : memref<8x4096xf32, #tpu.memory_space<vmem>>) dst(%dma_wait3A_56 : memref<8x4096xf32, #tpu.memory_space<hbm>>)
      tpu.yield
    }) : () -> ()
    %dma_start3A_13 = arith.constant 8 : i32
    %dma_start3A_14 = tpu.memref_slice %arg5[%dma_start3A_13] : memref<32xi32, #tpu.memory_space<vmem>> -> memref<8xi32, #tpu.memory_space<vmem>>
    %dma_start3A_15 = arith.constant 0 : i32
    %dma_start3A_16 = arith.constant 0 : i32
    %dma_start3A_17 = tpu.memref_slice %arg2[%dma_start3A_15, %dma_start3A_16] : memref<4096x4096xf32, #tpu.memory_space<hbm>> -> memref<4096x4096xf32, #tpu.memory_space<hbm>>
    tpu.enqueue_indirect_dma source(%dma_start3A_17 : memref<4096x4096xf32, #tpu.memory_space<hbm>>) target(%arg6 : memref<8x4096xf32, #tpu.memory_space<vmem>>) offsets(%dma_start3A_14 : memref<8xi32, #tpu.memory_space<vmem>>) semaphore(%arg7 : memref<!tpu.dma_semaphore, #tpu.memory_space<semaphore_mem>>)
    %dma_wait3A_18 = arith.constant 8 : i32
    %dma_wait3A_19 = tpu.memref_slice %arg5[%dma_wait3A_18] : memref<32xi32, #tpu.memory_space<vmem>> -> memref<8xi32, #tpu.memory_space<vmem>>
    %dma_wait3A_20 = arith.constant 0 : i32
    %dma_wait3A_21 = arith.constant 0 : i32
    %dma_wait3A_22 = tpu.memref_slice %arg2[%dma_wait3A_20, %dma_wait3A_21] : memref<4096x4096xf32, #tpu.memory_space<hbm>> -> memref<4096x4096xf32, #tpu.memory_space<hbm>>
    tpu.wait_indirect_dma semaphore(%arg7 : memref<!tpu.dma_semaphore, #tpu.memory_space<semaphore_mem>>) src(%dma_wait3A_22 : memref<4096x4096xf32, #tpu.memory_space<hbm>>) dst(%arg6 : memref<8x4096xf32, #tpu.memory_space<vmem>>)
    %add3A_23 = arith.constant 8 : i32
    %add3A_24 = arith.addi %mul3A_2, %add3A_23 : i32
    "tpu.region"() ({
      %run_scoped3A = tpu.sem_alloc : memref<!tpu.dma_semaphore, #tpu.memory_space<semaphore_mem>>
      %dma_start3A_49 = arith.constant 0 : i32
      %dma_start3A_50 = tpu.memref_slice %arg4[%add3A_24, %dma_start3A_49] : memref<1024x4096xf32, #tpu.memory_space<hbm>> -> memref<8x4096xf32, #tpu.memory_space<hbm>>
      %dma_start3A_51 = arith.constant 0 : i32
      %dma_start3A_52 = tpu.memref_slice %arg4[%add3A_24, %dma_start3A_51] : memref<1024x4096xf32, #tpu.memory_space<hbm>> -> memref<8x4096xf32, #tpu.memory_space<hbm>>
      tpu.enqueue_dma source(%arg6 : memref<8x4096xf32, #tpu.memory_space<vmem>>) target(%dma_start3A_52 : memref<8x4096xf32, #tpu.memory_space<hbm>>) target_semaphore(%run_scoped3A : memref<!tpu.dma_semaphore, #tpu.memory_space<semaphore_mem>>)
      %dma_wait3A_53 = arith.constant 0 : i32
      %dma_wait3A_54 = tpu.memref_slice %arg4[%add3A_24, %dma_wait3A_53] : memref<1024x4096xf32, #tpu.memory_space<hbm>> -> memref<8x4096xf32, #tpu.memory_space<hbm>>
      %dma_wait3A_55 = arith.constant 0 : i32
      %dma_wait3A_56 = tpu.memref_slice %arg4[%add3A_24, %dma_wait3A_55] : memref<1024x4096xf32, #tpu.memory_space<hbm>> -> memref<8x4096xf32, #tpu.memory_space<hbm>>
      tpu.wait_dma2 semaphore(%run_scoped3A : memref<!tpu.dma_semaphore, #tpu.memory_space<semaphore_mem>>) src(%arg6 : memref<8x4096xf32, #tpu.memory_space<vmem>>) dst(%dma_wait3A_56 : memref<8x4096xf32, #tpu.memory_space<hbm>>)
      tpu.yield
    }) : () -> ()
    %dma_start3A_25 = arith.constant 16 : i32
    %dma_start3A_26 = tpu.memref_slice %arg5[%dma_start3A_25] : memref<32xi32, #tpu.memory_space<vmem>> -> memref<8xi32, #tpu.memory_space<vmem>>
    %dma_start3A_27 = arith.constant 0 : i32
    %dma_start3A_28 = arith.constant 0 : i32
    %dma_start3A_29 = tpu.memref_slice %arg2[%dma_start3A_27, %dma_start3A_28] : memref<4096x4096xf32, #tpu.memory_space<hbm>> -> memref<4096x4096xf32, #tpu.memory_space<hbm>>
    tpu.enqueue_indirect_dma source(%dma_start3A_29 : memref<4096x4096xf32, #tpu.memory_space<hbm>>) target(%arg6 : memref<8x4096xf32, #tpu.memory_space<vmem>>) offsets(%dma_start3A_26 : memref<8xi32, #tpu.memory_space<vmem>>) semaphore(%arg7 : memref<!tpu.dma_semaphore, #tpu.memory_space<semaphore_mem>>)
    %dma_wait3A_30 = arith.constant 16 : i32
    %dma_wait3A_31 = tpu.memref_slice %arg5[%dma_wait3A_30] : memref<32xi32, #tpu.memory_space<vmem>> -> memref<8xi32, #tpu.memory_space<vmem>>
    %dma_wait3A_32 = arith.constant 0 : i32
    %dma_wait3A_33 = arith.constant 0 : i32
    %dma_wait3A_34 = tpu.memref_slice %arg2[%dma_wait3A_32, %dma_wait3A_33] : memref<4096x4096xf32, #tpu.memory_space<hbm>> -> memref<4096x4096xf32, #tpu.memory_space<hbm>>
    tpu.wait_indirect_dma semaphore(%arg7 : memref<!tpu.dma_semaphore, #tpu.memory_space<semaphore_mem>>) src(%dma_wait3A_34 : memref<4096x4096xf32, #tpu.memory_space<hbm>>) dst(%arg6 : memref<8x4096xf32, #tpu.memory_space<vmem>>)
    %add3A_35 = arith.constant 16 : i32
    %add3A_36 = arith.addi %mul3A_2, %add3A_35 : i32
    "tpu.region"() ({
      %run_scoped3A = tpu.sem_alloc : memref<!tpu.dma_semaphore, #tpu.memory_space<semaphore_mem>>
      %dma_start3A_49 = arith.constant 0 : i32
      %dma_start3A_50 = tpu.memref_slice %arg4[%add3A_36, %dma_start3A_49] : memref<1024x4096xf32, #tpu.memory_space<hbm>> -> memref<8x4096xf32, #tpu.memory_space<hbm>>
      %dma_start3A_51 = arith.constant 0 : i32
      %dma_start3A_52 = tpu.memref_slice %arg4[%add3A_36, %dma_start3A_51] : memref<1024x4096xf32, #tpu.memory_space<hbm>> -> memref<8x4096xf32, #tpu.memory_space<hbm>>
      tpu.enqueue_dma source(%arg6 : memref<8x4096xf32, #tpu.memory_space<vmem>>) target(%dma_start3A_52 : memref<8x4096xf32, #tpu.memory_space<hbm>>) target_semaphore(%run_scoped3A : memref<!tpu.dma_semaphore, #tpu.memory_space<semaphore_mem>>)
      %dma_wait3A_53 = arith.constant 0 : i32
      %dma_wait3A_54 = tpu.memref_slice %arg4[%add3A_36, %dma_wait3A_53] : memref<1024x4096xf32, #tpu.memory_space<hbm>> -> memref<8x4096xf32, #tpu.memory_space<hbm>>
      %dma_wait3A_55 = arith.constant 0 : i32
      %dma_wait3A_56 = tpu.memref_slice %arg4[%add3A_36, %dma_wait3A_55] : memref<1024x4096xf32, #tpu.memory_space<hbm>> -> memref<8x4096xf32, #tpu.memory_space<hbm>>
      tpu.wait_dma2 semaphore(%run_scoped3A : memref<!tpu.dma_semaphore, #tpu.memory_space<semaphore_mem>>) src(%arg6 : memref<8x4096xf32, #tpu.memory_space<vmem>>) dst(%dma_wait3A_56 : memref<8x4096xf32, #tpu.memory_space<hbm>>)
      tpu.yield
    }) : () -> ()
    %dma_start3A_37 = arith.constant 24 : i32
    %dma_start3A_38 = tpu.memref_slice %arg5[%dma_start3A_37] : memref<32xi32, #tpu.memory_space<vmem>> -> memref<8xi32, #tpu.memory_space<vmem>>
    %dma_start3A_39 = arith.constant 0 : i32
    %dma_start3A_40 = arith.constant 0 : i32
    %dma_start3A_41 = tpu.memref_slice %arg2[%dma_start3A_39, %dma_start3A_40] : memref<4096x4096xf32, #tpu.memory_space<hbm>> -> memref<4096x4096xf32, #tpu.memory_space<hbm>>
    tpu.enqueue_indirect_dma source(%dma_start3A_41 : memref<4096x4096xf32, #tpu.memory_space<hbm>>) target(%arg6 : memref<8x4096xf32, #tpu.memory_space<vmem>>) offsets(%dma_start3A_38 : memref<8xi32, #tpu.memory_space<vmem>>) semaphore(%arg7 : memref<!tpu.dma_semaphore, #tpu.memory_space<semaphore_mem>>)
    %dma_wait3A_42 = arith.constant 24 : i32
    %dma_wait3A_43 = tpu.memref_slice %arg5[%dma_wait3A_42] : memref<32xi32, #tpu.memory_space<vmem>> -> memref<8xi32, #tpu.memory_space<vmem>>
    %dma_wait3A_44 = arith.constant 0 : i32
    %dma_wait3A_45 = arith.constant 0 : i32
    %dma_wait3A_46 = tpu.memref_slice %arg2[%dma_wait3A_44, %dma_wait3A_45] : memref<4096x4096xf32, #tpu.memory_space<hbm>> -> memref<4096x4096xf32, #tpu.memory_space<hbm>>
    tpu.wait_indirect_dma semaphore(%arg7 : memref<!tpu.dma_semaphore, #tpu.memory_space<semaphore_mem>>) src(%dma_wait3A_46 : memref<4096x4096xf32, #tpu.memory_space<hbm>>) dst(%arg6 : memref<8x4096xf32, #tpu.memory_space<vmem>>)
    %add3A_47 = arith.constant 24 : i32
    %add3A_48 = arith.addi %mul3A_2, %add3A_47 : i32
    "tpu.region"() ({
      %run_scoped3A = tpu.sem_alloc : memref<!tpu.dma_semaphore, #tpu.memory_space<semaphore_mem>>
      %dma_start3A_49 = arith.constant 0 : i32
      %dma_start3A_50 = tpu.memref_slice %arg4[%add3A_48, %dma_start3A_49] : memref<1024x4096xf32, #tpu.memory_space<hbm>> -> memref<8x4096xf32, #tpu.memory_space<hbm>>
      %dma_start3A_51 = arith.constant 0 : i32
      %dma_start3A_52 = tpu.memref_slice %arg4[%add3A_48, %dma_start3A_51] : memref<1024x4096xf32, #tpu.memory_space<hbm>> -> memref<8x4096xf32, #tpu.memory_space<hbm>>
      tpu.enqueue_dma source(%arg6 : memref<8x4096xf32, #tpu.memory_space<vmem>>) target(%dma_start3A_52 : memref<8x4096xf32, #tpu.memory_space<hbm>>) target_semaphore(%run_scoped3A : memref<!tpu.dma_semaphore, #tpu.memory_space<semaphore_mem>>)
      %dma_wait3A_53 = arith.constant 0 : i32
      %dma_wait3A_54 = tpu.memref_slice %arg4[%add3A_48, %dma_wait3A_53] : memref<1024x4096xf32, #tpu.memory_space<hbm>> -> memref<8x4096xf32, #tpu.memory_space<hbm>>
      %dma_wait3A_55 = arith.constant 0 : i32
      %dma_wait3A_56 = tpu.memref_slice %arg4[%add3A_48, %dma_wait3A_55] : memref<1024x4096xf32, #tpu.memory_space<hbm>> -> memref<8x4096xf32, #tpu.memory_space<hbm>>
      tpu.wait_dma2 semaphore(%run_scoped3A : memref<!tpu.dma_semaphore, #tpu.memory_space<semaphore_mem>>) src(%arg6 : memref<8x4096xf32, #tpu.memory_space<vmem>>) dst(%dma_wait3A_56 : memref<8x4096xf32, #tpu.memory_space<hbm>>)
      tpu.yield
    }) : () -> ()
    return
  }
}

#map = affine_map<(d0, d1) -> (0, 0)>
#map1 = affine_map<(d0, d1) -> (0)>
module attributes {stable_mosaic.version = 14 : i64} {
  func.func @gk(%arg0: i32, %arg1: i32, %arg2: memref<4096x1024xf32, #tpu.memory_space<hbm>>, %arg3: memref<1024xi32, #tpu.memory_space<hbm>>, %arg4: memref<1024x1024xf32, #tpu.memory_space<hbm>>, %arg5: memref<32xi32, #tpu.memory_space<vmem>>, %arg6: memref<32x1024xf32, #tpu.memory_space<vmem>>, %arg7: memref<!tpu.dma_semaphore, #tpu.memory_space<semaphore_mem>>) attributes {dimension_semantics = [#tpu.dimension_semantics<core_parallel>, #tpu.dimension_semantics<subcore_parallel>], iteration_bounds = array<i64: 2, 16>, scalar_prefetch = 0 : i64, scratch_operands = 3 : i64, tpu.core_type = #tpu.core_type<sc_vector_subcore>, window_params = [{transform_indices = #map}, {transform_indices = #map1}, {transform_indices = #map}]} {
    %mul3A = arith.constant 2 : i32
    %mul3A_0 = arith.muli %arg1, %mul3A : i32
    %add3A = arith.addi %mul3A_0, %arg0 : i32
    %mul3A_1 = arith.constant 32 : i32
    %mul3A_2 = arith.muli %add3A, %mul3A_1 : i32
    "tpu.region"() ({
      %run_scoped3A = tpu.sem_alloc : memref<!tpu.dma_semaphore, #tpu.memory_space<semaphore_mem>>
      %dma_start3A_13 = tpu.memref_slice %arg3[%mul3A_2] : memref<1024xi32, #tpu.memory_space<hbm>> -> memref<32xi32, #tpu.memory_space<hbm>>
      %dma_start3A_14 = tpu.memref_slice %arg3[%mul3A_2] : memref<1024xi32, #tpu.memory_space<hbm>> -> memref<32xi32, #tpu.memory_space<hbm>>
      tpu.enqueue_dma source(%dma_start3A_14 : memref<32xi32, #tpu.memory_space<hbm>>) target(%arg5 : memref<32xi32, #tpu.memory_space<vmem>>) target_semaphore(%run_scoped3A : memref<!tpu.dma_semaphore, #tpu.memory_space<semaphore_mem>>)
      %dma_wait3A_15 = tpu.memref_slice %arg3[%mul3A_2] : memref<1024xi32, #tpu.memory_space<hbm>> -> memref<32xi32, #tpu.memory_space<hbm>>
      %dma_wait3A_16 = tpu.memref_slice %arg3[%mul3A_2] : memref<1024xi32, #tpu.memory_space<hbm>> -> memref<32xi32, #tpu.memory_space<hbm>>
      tpu.wait_dma2 semaphore(%run_scoped3A : memref<!tpu.dma_semaphore, #tpu.memory_space<semaphore_mem>>) src(%dma_wait3A_16 : memref<32xi32, #tpu.memory_space<hbm>>) dst(%arg5 : memref<32xi32, #tpu.memory_space<vmem>>)
      tpu.yield
    }) : () -> ()
    %dma_start3A = arith.constant 0 : i32
    %dma_start3A_3 = tpu.memref_slice %arg5[%dma_start3A] : memref<32xi32, #tpu.memory_space<vmem>> -> memref<32xi32, #tpu.memory_space<vmem>>
    %dma_start3A_4 = arith.constant 0 : i32
    %dma_start3A_5 = arith.constant 0 : i32
    %dma_start3A_6 = tpu.memref_slice %arg2[%dma_start3A_4, %dma_start3A_5] : memref<4096x1024xf32, #tpu.memory_space<hbm>> -> memref<4096x1024xf32, #tpu.memory_space<hbm>>
    tpu.enqueue_indirect_dma source(%dma_start3A_6 : memref<4096x1024xf32, #tpu.memory_space<hbm>>) target(%arg6 : memref<32x1024xf32, #tpu.memory_space<vmem>>) offsets(%dma_start3A_3 : memref<32xi32, #tpu.memory_space<vmem>>) semaphore(%arg7 : memref<!tpu.dma_semaphore, #tpu.memory_space<semaphore_mem>>)
    %dma_wait3A = arith.constant 0 : i32
    %dma_wait3A_7 = tpu.memref_slice %arg5[%dma_wait3A] : memref<32xi32, #tpu.memory_space<vmem>> -> memref<32xi32, #tpu.memory_space<vmem>>
    %dma_wait3A_8 = arith.constant 0 : i32
    %dma_wait3A_9 = arith.constant 0 : i32
    %dma_wait3A_10 = tpu.memref_slice %arg2[%dma_wait3A_8, %dma_wait3A_9] : memref<4096x1024xf32, #tpu.memory_space<hbm>> -> memref<4096x1024xf32, #tpu.memory_space<hbm>>
    tpu.wait_indirect_dma semaphore(%arg7 : memref<!tpu.dma_semaphore, #tpu.memory_space<semaphore_mem>>) src(%dma_wait3A_10 : memref<4096x1024xf32, #tpu.memory_space<hbm>>) dst(%arg6 : memref<32x1024xf32, #tpu.memory_space<vmem>>)
    %add3A_11 = arith.constant 0 : i32
    %add3A_12 = arith.addi %mul3A_2, %add3A_11 : i32
    "tpu.region"() ({
      %run_scoped3A = tpu.sem_alloc : memref<!tpu.dma_semaphore, #tpu.memory_space<semaphore_mem>>
      %dma_start3A_13 = arith.constant 0 : i32
      %dma_start3A_14 = tpu.memref_slice %arg4[%add3A_12, %dma_start3A_13] : memref<1024x1024xf32, #tpu.memory_space<hbm>> -> memref<32x1024xf32, #tpu.memory_space<hbm>>
      %dma_start3A_15 = arith.constant 0 : i32
      %dma_start3A_16 = tpu.memref_slice %arg4[%add3A_12, %dma_start3A_15] : memref<1024x1024xf32, #tpu.memory_space<hbm>> -> memref<32x1024xf32, #tpu.memory_space<hbm>>
      tpu.enqueue_dma source(%arg6 : memref<32x1024xf32, #tpu.memory_space<vmem>>) target(%dma_start3A_16 : memref<32x1024xf32, #tpu.memory_space<hbm>>) target_semaphore(%run_scoped3A : memref<!tpu.dma_semaphore, #tpu.memory_space<semaphore_mem>>)
      %dma_wait3A_17 = arith.constant 0 : i32
      %dma_wait3A_18 = tpu.memref_slice %arg4[%add3A_12, %dma_wait3A_17] : memref<1024x1024xf32, #tpu.memory_space<hbm>> -> memref<32x1024xf32, #tpu.memory_space<hbm>>
      %dma_wait3A_19 = arith.constant 0 : i32
      %dma_wait3A_20 = tpu.memref_slice %arg4[%add3A_12, %dma_wait3A_19] : memref<1024x1024xf32, #tpu.memory_space<hbm>> -> memref<32x1024xf32, #tpu.memory_space<hbm>>
      tpu.wait_dma2 semaphore(%run_scoped3A : memref<!tpu.dma_semaphore, #tpu.memory_space<semaphore_mem>>) src(%arg6 : memref<32x1024xf32, #tpu.memory_space<vmem>>) dst(%dma_wait3A_20 : memref<32x1024xf32, #tpu.memory_space<hbm>>)
      tpu.yield
    }) : () -> ()
    return
  }
}

module attributes {stable_mosaic.version = 14 : i64} {
  func.func @_score_kernel(%arg0: i32, %arg1: memref<512x1024xf32, #tpu.memory_space<vmem>>, %arg2: memref<1x512xf32, #tpu.memory_space<vmem>>, %arg3: memref<1x1024xf32, #tpu.memory_space<vmem>>) attributes {dimension_semantics = [#tpu.dimension_semantics<arbitrary>], iteration_bounds = array<i64: 4>, scalar_prefetch = 0 : i64, scratch_operands = 0 : i64, tpu.core_type = #tpu.core_type<tc>, window_params = [{transform_indices = @transform_0, window_bounds = array<i64: 512, 1024>}, {pipeline_mode = #tpu.pipeline_mode<synchronous>, transform_indices = @transform_1, window_bounds = array<i64: 1, 512>}, {transform_indices = @transform_2, window_bounds = array<i64: 1, 1024>}]} {
    %get3A = arith.constant 0 : index
    %get3A_0 = arith.constant 0 : index
    %get3A_1 = vector.load %arg2[%get3A, %get3A_0] : memref<1x512xf32, #tpu.memory_space<vmem>>, vector<1x512xf32>
    %mul3A = arith.mulf %get3A_1, %get3A_1 : vector<1x512xf32>
    %reduce_sum3A = vector.shape_cast %mul3A : vector<1x512xf32> to vector<1x1x512xf32>
    %reduce_sum3A_2 = arith.constant dense<0.000000e+00> : vector<1xf32>
    %reduce_sum3A_3 = vector.multi_reduction <add>, %reduce_sum3A, %reduce_sum3A_2 [1, 2] : vector<1x1x512xf32> to vector<1xf32>
    %reduce_sum3A_4 = vector.shape_cast %reduce_sum3A_3 : vector<1xf32> to vector<1x1x1xf32>
    %reduce_sum3A_5 = vector.extract %reduce_sum3A_4[0, 0, 0] : f32 from vector<1x1x1xf32>
    %max3A = arith.constant 9.99999996E-13 : f32
    %max3A_6 = arith.maximumf %reduce_sum3A_5, %max3A : f32
    %rsqrt3A = math.rsqrt %max3A_6 : f32
    %mul3A_7 = vector.broadcast %rsqrt3A : f32 to vector<1x512xf32>
    %mul3A_8 = arith.mulf %get3A_1, %mul3A_7 : vector<1x512xf32>
    %get3A_9 = arith.constant 0 : index
    %get3A_10 = arith.constant 0 : index
    %get3A_11 = vector.load %arg1[%get3A_9, %get3A_10] : memref<512x1024xf32, #tpu.memory_space<vmem>>, vector<512x1024xf32>
    %dot_general3A = arith.constant dense<0.000000e+00> : vector<1x1024xf32>
    %dot_general3A_12 = tpu.matmul %mul3A_8, %get3A_11, %dot_general3A {dimension_numbers = #tpu.dot_dimension_numbers<[1], [0], [0], [1], [0, 0, 1, 1], [], []>, transpose_lhs_hint = false} : vector<1x512xf32>, vector<512x1024xf32>, vector<1x1024xf32> -> vector<1x1024xf32>
    %swap3A = arith.constant 0 : index
    %swap3A_13 = arith.constant 0 : index
    %swap3A_14 = vector.load %arg3[%swap3A, %swap3A_13] : memref<1x1024xf32, #tpu.memory_space<vmem>>, vector<1x1024xf32>
    tpu.vector_store %arg3[%swap3A, %swap3A_13], %dot_general3A_12 {strides = array<i32>} : memref<1x1024xf32, #tpu.memory_space<vmem>>, vector<1x1024xf32>,
    return
  }
  func.func @transform_0(%arg0: i32) -> (i32, i32) {
    %c0_i32 = arith.constant 0 : i32
    %c0_i32_0 = arith.constant 0 : i32
    return %c0_i32, %arg0 : i32, i32
  }
  func.func @transform_1(%arg0: i32) -> (i32, i32) {
    %c0_i32 = arith.constant 0 : i32
    %c0_i32_0 = arith.constant 0 : i32
    %c0_i32_1 = arith.constant 0 : i32
    return %c0_i32, %c0_i32_0 : i32, i32
  }
  func.func @transform_2(%arg0: i32) -> (i32, i32) {
    %c0_i32 = arith.constant 0 : i32
    %c0_i32_0 = arith.constant 0 : i32
    return %c0_i32, %arg0 : i32, i32
  }
}

module attributes {stable_mosaic.version = 14 : i64} {
  func.func @_topk_kernel(%arg0: memref<1x4096xf32, #tpu.memory_space<vmem>>, %arg1: memref<1x4096xi32, #tpu.memory_space<vmem>>, %arg2: memref<1024x1xi32, #tpu.memory_space<vmem>>, %arg3: memref<1024x1xi32, #tpu.memory_space<vmem>>) attributes {dimension_semantics = [], scalar_prefetch = 0 : i64, scratch_operands = 0 : i64, tpu.core_type = #tpu.core_type<tc>} {
    %get3A = arith.constant 0 : index
    %get3A_0 = arith.constant 0 : index
    %get3A_1 = vector.load %arg0[%get3A, %get3A_0] : memref<1x4096xf32, #tpu.memory_space<vmem>>, vector<1x4096xf32>
    %bitcast_convert_type3A = tpu.bitcast %get3A_1 : vector<1x4096xf32> -> vector<1x4096xi32>
    %shift_right_arithmetic3A = arith.constant 31 : i32
    %shift_right_arithmetic3A_2 = vector.broadcast %shift_right_arithmetic3A : i32 to vector<1x4096xi32>
    %shift_right_arithmetic3A_3 = arith.shrsi %bitcast_convert_type3A, %shift_right_arithmetic3A_2 : vector<1x4096xi32>
    %and3A = arith.constant 2147483647 : i32
    %and3A_4 = vector.broadcast %and3A : i32 to vector<1x4096xi32>
    %and3A_5 = arith.andi %shift_right_arithmetic3A_3, %and3A_4 : vector<1x4096xi32>
    %xor3A = arith.xori %bitcast_convert_type3A, %and3A_5 : vector<1x4096xi32>
    %xor3A_6 = arith.constant -2147483648 : i32
    %xor3A_7 = vector.broadcast %xor3A_6 : i32 to vector<1x4096xi32>
    %xor3A_8 = arith.xori %xor3A, %xor3A_7 : vector<1x4096xi32>
    %iota3A = tpu.iota {dimensions = array<i32: 0>} : vector<256x4096xi32>
    %broadcast_in_dim3A = arith.constant true
    %broadcast_in_dim3A_9 = vector.broadcast %broadcast_in_dim3A : i1 to vector<1x4096xi1>
    %broadcast_in_dim3A_10 = arith.constant false
    %broadcast_in_dim3A_11 = vector.broadcast %broadcast_in_dim3A_10 : i1 to vector<1x4096xi1>
    %shift_right_logical3A = arith.constant 24 : i32
    %shift_right_logical3A_12 = vector.broadcast %shift_right_logical3A : i32 to vector<1x4096xi32>
    %shift_right_logical3A_13 = arith.shrui %xor3A_8, %shift_right_logical3A_12 : vector<1x4096xi32>
    %and3A_14 = arith.constant 255 : i32
    %and3A_15 = vector.broadcast %and3A_14 : i32 to vector<1x4096xi32>
    %and3A_16 = arith.andi %shift_right_logical3A_13, %and3A_15 : vector<1x4096xi32>
    %ge3A = vector.broadcast %and3A_16 : vector<1x4096xi32> to vector<256x4096xi32>
    %ge3A_17 = arith.cmpi sge, %ge3A, %iota3A : vector<256x4096xi32>
    %and3A_18 = vector.broadcast %broadcast_in_dim3A_9 : vector<1x4096xi1> to vector<256x4096xi1>
    %and3A_19 = arith.andi %and3A_18, %ge3A_17 : vector<256x4096xi1>
    %convert_element_type3A = arith.extui %and3A_19 : vector<256x4096xi1> to vector<256x4096xi32>
    %reduce_sum3A = arith.constant dense<0> : vector<256xi32>
    %reduce_sum3A_20 = vector.multi_reduction <add>, %convert_element_type3A, %reduce_sum3A [1] : vector<256x4096xi32> to vector<256xi32>
    %broadcast_in_dim3A_21 = vector.shape_cast %reduce_sum3A_20 : vector<256xi32> to vector<256x1xi32>
    %iota3A_22 = tpu.iota {dimensions = array<i32: 0>} : vector<256x1xi32>
    %ge3A_23 = arith.constant 1024 : i32
    %ge3A_24 = vector.broadcast %ge3A_23 : i32 to vector<256x1xi32>
    %ge3A_25 = arith.cmpi sge, %broadcast_in_dim3A_21, %ge3A_24 : vector<256x1xi32>
    %jit3A = arith.constant -1 : i32
    %broadcast_in_dim3A_26 = vector.broadcast %jit3A : i32 to vector<256x1xi32>
    %select_n3A = arith.select %ge3A_25, %iota3A_22, %broadcast_in_dim3A_26 : vector<256x1xi1>, vector<256x1xi32>
    %reduce_max3A = vector.shape_cast %select_n3A : vector<256x1xi32> to vector<1x256x1xi32>
    %reduce_max3A_27 = arith.constant dense<-2147483648> : vector<1xi32>
    %reduce_max3A_28 = vector.multi_reduction <maxsi>, %reduce_max3A, %reduce_max3A_27 [1, 2] : vector<1x256x1xi32> to vector<1xi32>
    %reduce_max3A_29 = vector.shape_cast %reduce_max3A_28 : vector<1xi32> to vector<1x1x1xi32>
    %reduce_max3A_30 = vector.extract %reduce_max3A_29[0, 0, 0] : i32 from vector<1x1x1xi32>
    %gt3A = vector.broadcast %reduce_max3A_30 : i32 to vector<1x4096xi32>
    %gt3A_31 = arith.cmpi sgt, %and3A_16, %gt3A : vector<1x4096xi32>
    %and3A_32 = arith.andi %broadcast_in_dim3A_9, %gt3A_31 : vector<1x4096xi1>
    %jit3A_33 = arith.constant 1 : i32
    %jit3A_34 = arith.constant 0 : i32
    %broadcast_in_dim3A_35 = vector.broadcast %jit3A_33 : i32 to vector<1x4096xi32>
    %broadcast_in_dim3A_36 = vector.broadcast %jit3A_34 : i32 to vector<1x4096xi32>
    %select_n3A_37 = arith.select %and3A_32, %broadcast_in_dim3A_35, %broadcast_in_dim3A_36 : vector<1x4096xi1>, vector<1x4096xi32>
    %reduce_sum3A_38 = vector.shape_cast %select_n3A_37 : vector<1x4096xi32> to vector<1x1x4096xi32>
    %reduce_sum3A_39 = arith.constant dense<0> : vector<1xi32>
    %reduce_sum3A_40 = vector.multi_reduction <add>, %reduce_sum3A_38, %reduce_sum3A_39 [1, 2] : vector<1x1x4096xi32> to vector<1xi32>
    %reduce_sum3A_41 = vector.shape_cast %reduce_sum3A_40 : vector<1xi32> to vector<1x1x1xi32>
    %reduce_sum3A_42 = vector.extract %reduce_sum3A_41[0, 0, 0] : i32 from vector<1x1x1xi32>
    %sub3A = arith.constant 1024 : i32
    %sub3A_43 = arith.subi %sub3A, %reduce_sum3A_42 : i32
    %or3A = arith.ori %broadcast_in_dim3A_11, %and3A_32 : vector<1x4096xi1>
    %eq3A = vector.broadcast %reduce_max3A_30 : i32 to vector<1x4096xi32>
    %eq3A_44 = arith.cmpi eq, %and3A_16, %eq3A : vector<1x4096xi32>
    %and3A_45 = arith.andi %broadcast_in_dim3A_9, %eq3A_44 : vector<1x4096xi1>
    %shift_right_logical3A_46 = arith.constant 16 : i32
    %shift_right_logical3A_47 = vector.broadcast %shift_right_logical3A_46 : i32 to vector<1x4096xi32>
    %shift_right_logical3A_48 = arith.shrui %xor3A_8, %shift_right_logical3A_47 : vector<1x4096xi32>
    %and3A_49 = arith.constant 255 : i32
    %and3A_50 = vector.broadcast %and3A_49 : i32 to vector<1x4096xi32>
    %and3A_51 = arith.andi %shift_right_logical3A_48, %and3A_50 : vector<1x4096xi32>
    %ge3A_52 = vector.broadcast %and3A_51 : vector<1x4096xi32> to vector<256x4096xi32>
    %ge3A_53 = arith.cmpi sge, %ge3A_52, %iota3A : vector<256x4096xi32>
    %and3A_54 = vector.broadcast %and3A_45 : vector<1x4096xi1> to vector<256x4096xi1>
    %and3A_55 = arith.andi %and3A_54, %ge3A_53 : vector<256x4096xi1>
    %convert_element_type3A_56 = arith.extui %and3A_55 : vector<256x4096xi1> to vector<256x4096xi32>
    %reduce_sum3A_57 = arith.constant dense<0> : vector<256xi32>
    %reduce_sum3A_58 = vector.multi_reduction <add>, %convert_element_type3A_56, %reduce_sum3A_57 [1] : vector<256x4096xi32> to vector<256xi32>
    %broadcast_in_dim3A_59 = vector.shape_cast %reduce_sum3A_58 : vector<256xi32> to vector<256x1xi32>
    %iota3A_60 = tpu.iota {dimensions = array<i32: 0>} : vector<256x1xi32>
    %ge3A_61 = vector.broadcast %sub3A_43 : i32 to vector<256x1xi32>
    %ge3A_62 = arith.cmpi sge, %broadcast_in_dim3A_59, %ge3A_61 : vector<256x1xi32>
    %jit3A_63 = arith.constant -1 : i32
    %broadcast_in_dim3A_64 = vector.broadcast %jit3A_63 : i32 to vector<256x1xi32>
    %select_n3A_65 = arith.select %ge3A_62, %iota3A_60, %broadcast_in_dim3A_64 : vector<256x1xi1>, vector<256x1xi32>
    %reduce_max3A_66 = vector.shape_cast %select_n3A_65 : vector<256x1xi32> to vector<1x256x1xi32>
    %reduce_max3A_67 = arith.constant dense<-2147483648> : vector<1xi32>
    %reduce_max3A_68 = vector.multi_reduction <maxsi>, %reduce_max3A_66, %reduce_max3A_67 [1, 2] : vector<1x256x1xi32> to vector<1xi32>
    %reduce_max3A_69 = vector.shape_cast %reduce_max3A_68 : vector<1xi32> to vector<1x1x1xi32>
    %reduce_max3A_70 = vector.extract %reduce_max3A_69[0, 0, 0] : i32 from vector<1x1x1xi32>
    %gt3A_71 = vector.broadcast %reduce_max3A_70 : i32 to vector<1x4096xi32>
    %gt3A_72 = arith.cmpi sgt, %and3A_51, %gt3A_71 : vector<1x4096xi32>
    %and3A_73 = arith.andi %and3A_45, %gt3A_72 : vector<1x4096xi1>
    %jit3A_74 = arith.constant 1 : i32
    %jit3A_75 = arith.constant 0 : i32
    %broadcast_in_dim3A_76 = vector.broadcast %jit3A_74 : i32 to vector<1x4096xi32>
    %broadcast_in_dim3A_77 = vector.broadcast %jit3A_75 : i32 to vector<1x4096xi32>
    %select_n3A_78 = arith.select %and3A_73, %broadcast_in_dim3A_76, %broadcast_in_dim3A_77 : vector<1x4096xi1>, vector<1x4096xi32>
    %reduce_sum3A_79 = vector.shape_cast %select_n3A_78 : vector<1x4096xi32> to vector<1x1x4096xi32>
    %reduce_sum3A_80 = arith.constant dense<0> : vector<1xi32>
    %reduce_sum3A_81 = vector.multi_reduction <add>, %reduce_sum3A_79, %reduce_sum3A_80 [1, 2] : vector<1x1x4096xi32> to vector<1xi32>
    %reduce_sum3A_82 = vector.shape_cast %reduce_sum3A_81 : vector<1xi32> to vector<1x1x1xi32>
    %reduce_sum3A_83 = vector.extract %reduce_sum3A_82[0, 0, 0] : i32 from vector<1x1x1xi32>
    %sub3A_84 = arith.subi %sub3A_43, %reduce_sum3A_83 : i32
    %or3A_85 = arith.ori %or3A, %and3A_73 : vector<1x4096xi1>
    %eq3A_86 = vector.broadcast %reduce_max3A_70 : i32 to vector<1x4096xi32>
    %eq3A_87 = arith.cmpi eq, %and3A_51, %eq3A_86 : vector<1x4096xi32>
    %and3A_88 = arith.andi %and3A_45, %eq3A_87 : vector<1x4096xi1>
    %shift_right_logical3A_89 = arith.constant 8 : i32
    %shift_right_logical3A_90 = vector.broadcast %shift_right_logical3A_89 : i32 to vector<1x4096xi32>
    %shift_right_logical3A_91 = arith.shrui %xor3A_8, %shift_right_logical3A_90 : vector<1x4096xi32>
    %and3A_92 = arith.constant 255 : i32
    %and3A_93 = vector.broadcast %and3A_92 : i32 to vector<1x4096xi32>
    %and3A_94 = arith.andi %shift_right_logical3A_91, %and3A_93 : vector<1x4096xi32>
    %ge3A_95 = vector.broadcast %and3A_94 : vector<1x4096xi32> to vector<256x4096xi32>
    %ge3A_96 = arith.cmpi sge, %ge3A_95, %iota3A : vector<256x4096xi32>
    %and3A_97 = vector.broadcast %and3A_88 : vector<1x4096xi1> to vector<256x4096xi1>
    %and3A_98 = arith.andi %and3A_97, %ge3A_96 : vector<256x4096xi1>
    %convert_element_type3A_99 = arith.extui %and3A_98 : vector<256x4096xi1> to vector<256x4096xi32>
    %reduce_sum3A_100 = arith.constant dense<0> : vector<256xi32>
    %reduce_sum3A_101 = vector.multi_reduction <add>, %convert_element_type3A_99, %reduce_sum3A_100 [1] : vector<256x4096xi32> to vector<256xi32>
    %broadcast_in_dim3A_102 = vector.shape_cast %reduce_sum3A_101 : vector<256xi32> to vector<256x1xi32>
    %iota3A_103 = tpu.iota {dimensions = array<i32: 0>} : vector<256x1xi32>
    %ge3A_104 = vector.broadcast %sub3A_84 : i32 to vector<256x1xi32>
    %ge3A_105 = arith.cmpi sge, %broadcast_in_dim3A_102, %ge3A_104 : vector<256x1xi32>
    %jit3A_106 = arith.constant -1 : i32
    %broadcast_in_dim3A_107 = vector.broadcast %jit3A_106 : i32 to vector<256x1xi32>
    %select_n3A_108 = arith.select %ge3A_105, %iota3A_103, %broadcast_in_dim3A_107 : vector<256x1xi1>, vector<256x1xi32>
    %reduce_max3A_109 = vector.shape_cast %select_n3A_108 : vector<256x1xi32> to vector<1x256x1xi32>
    %reduce_max3A_110 = arith.constant dense<-2147483648> : vector<1xi32>
    %reduce_max3A_111 = vector.multi_reduction <maxsi>, %reduce_max3A_109, %reduce_max3A_110 [1, 2] : vector<1x256x1xi32> to vector<1xi32>
    %reduce_max3A_112 = vector.shape_cast %reduce_max3A_111 : vector<1xi32> to vector<1x1x1xi32>
    %reduce_max3A_113 = vector.extract %reduce_max3A_112[0, 0, 0] : i32 from vector<1x1x1xi32>
    %gt3A_114 = vector.broadcast %reduce_max3A_113 : i32 to vector<1x4096xi32>
    %gt3A_115 = arith.cmpi sgt, %and3A_94, %gt3A_114 : vector<1x4096xi32>
    %and3A_116 = arith.andi %and3A_88, %gt3A_115 : vector<1x4096xi1>
    %jit3A_117 = arith.constant 1 : i32
    %jit3A_118 = arith.constant 0 : i32
    %broadcast_in_dim3A_119 = vector.broadcast %jit3A_117 : i32 to vector<1x4096xi32>
    %broadcast_in_dim3A_120 = vector.broadcast %jit3A_118 : i32 to vector<1x4096xi32>
    %select_n3A_121 = arith.select %and3A_116, %broadcast_in_dim3A_119, %broadcast_in_dim3A_120 : vector<1x4096xi1>, vector<1x4096xi32>
    %reduce_sum3A_122 = vector.shape_cast %select_n3A_121 : vector<1x4096xi32> to vector<1x1x4096xi32>
    %reduce_sum3A_123 = arith.constant dense<0> : vector<1xi32>
    %reduce_sum3A_124 = vector.multi_reduction <add>, %reduce_sum3A_122, %reduce_sum3A_123 [1, 2] : vector<1x1x4096xi32> to vector<1xi32>
    %reduce_sum3A_125 = vector.shape_cast %reduce_sum3A_124 : vector<1xi32> to vector<1x1x1xi32>
    %reduce_sum3A_126 = vector.extract %reduce_sum3A_125[0, 0, 0] : i32 from vector<1x1x1xi32>
    %sub3A_127 = arith.subi %sub3A_84, %reduce_sum3A_126 : i32
    %or3A_128 = arith.ori %or3A_85, %and3A_116 : vector<1x4096xi1>
    %eq3A_129 = vector.broadcast %reduce_max3A_113 : i32 to vector<1x4096xi32>
    %eq3A_130 = arith.cmpi eq, %and3A_94, %eq3A_129 : vector<1x4096xi32>
    %and3A_131 = arith.andi %and3A_88, %eq3A_130 : vector<1x4096xi1>
    %shift_right_logical3A_132 = arith.constant 0 : i32
    %shift_right_logical3A_133 = vector.broadcast %shift_right_logical3A_132 : i32 to vector<1x4096xi32>
    %shift_right_logical3A_134 = arith.shrui %xor3A_8, %shift_right_logical3A_133 : vector<1x4096xi32>
    %and3A_135 = arith.constant 255 : i32
    %and3A_136 = vector.broadcast %and3A_135 : i32 to vector<1x4096xi32>
    %and3A_137 = arith.andi %shift_right_logical3A_134, %and3A_136 : vector<1x4096xi32>
    %ge3A_138 = vector.broadcast %and3A_137 : vector<1x4096xi32> to vector<256x4096xi32>
    %ge3A_139 = arith.cmpi sge, %ge3A_138, %iota3A : vector<256x4096xi32>
    %and3A_140 = vector.broadcast %and3A_131 : vector<1x4096xi1> to vector<256x4096xi1>
    %and3A_141 = arith.andi %and3A_140, %ge3A_139 : vector<256x4096xi1>
    %convert_element_type3A_142 = arith.extui %and3A_141 : vector<256x4096xi1> to vector<256x4096xi32>
    %reduce_sum3A_143 = arith.constant dense<0> : vector<256xi32>
    %reduce_sum3A_144 = vector.multi_reduction <add>, %convert_element_type3A_142, %reduce_sum3A_143 [1] : vector<256x4096xi32> to vector<256xi32>
    %broadcast_in_dim3A_145 = vector.shape_cast %reduce_sum3A_144 : vector<256xi32> to vector<256x1xi32>
    %iota3A_146 = tpu.iota {dimensions = array<i32: 0>} : vector<256x1xi32>
    %ge3A_147 = vector.broadcast %sub3A_127 : i32 to vector<256x1xi32>
    %ge3A_148 = arith.cmpi sge, %broadcast_in_dim3A_145, %ge3A_147 : vector<256x1xi32>
    %jit3A_149 = arith.constant -1 : i32
    %broadcast_in_dim3A_150 = vector.broadcast %jit3A_149 : i32 to vector<256x1xi32>
    %select_n3A_151 = arith.select %ge3A_148, %iota3A_146, %broadcast_in_dim3A_150 : vector<256x1xi1>, vector<256x1xi32>
    %reduce_max3A_152 = vector.shape_cast %select_n3A_151 : vector<256x1xi32> to vector<1x256x1xi32>
    %reduce_max3A_153 = arith.constant dense<-2147483648> : vector<1xi32>
    %reduce_max3A_154 = vector.multi_reduction <maxsi>, %reduce_max3A_152, %reduce_max3A_153 [1, 2] : vector<1x256x1xi32> to vector<1xi32>
    %reduce_max3A_155 = vector.shape_cast %reduce_max3A_154 : vector<1xi32> to vector<1x1x1xi32>
    %reduce_max3A_156 = vector.extract %reduce_max3A_155[0, 0, 0] : i32 from vector<1x1x1xi32>
    %gt3A_157 = vector.broadcast %reduce_max3A_156 : i32 to vector<1x4096xi32>
    %gt3A_158 = arith.cmpi sgt, %and3A_137, %gt3A_157 : vector<1x4096xi32>
    %and3A_159 = arith.andi %and3A_131, %gt3A_158 : vector<1x4096xi1>
    %jit3A_160 = arith.constant 1 : i32
    %jit3A_161 = arith.constant 0 : i32
    %broadcast_in_dim3A_162 = vector.broadcast %jit3A_160 : i32 to vector<1x4096xi32>
    %broadcast_in_dim3A_163 = vector.broadcast %jit3A_161 : i32 to vector<1x4096xi32>
    %select_n3A_164 = arith.select %and3A_159, %broadcast_in_dim3A_162, %broadcast_in_dim3A_163 : vector<1x4096xi1>, vector<1x4096xi32>
    %reduce_sum3A_165 = vector.shape_cast %select_n3A_164 : vector<1x4096xi32> to vector<1x1x4096xi32>
    %reduce_sum3A_166 = arith.constant dense<0> : vector<1xi32>
    %reduce_sum3A_167 = vector.multi_reduction <add>, %reduce_sum3A_165, %reduce_sum3A_166 [1, 2] : vector<1x1x4096xi32> to vector<1xi32>
    %reduce_sum3A_168 = vector.shape_cast %reduce_sum3A_167 : vector<1xi32> to vector<1x1x1xi32>
    %reduce_sum3A_169 = vector.extract %reduce_sum3A_168[0, 0, 0] : i32 from vector<1x1x1xi32>
    %sub3A_170 = arith.subi %sub3A_127, %reduce_sum3A_169 : i32
    %or3A_171 = arith.ori %or3A_128, %and3A_159 : vector<1x4096xi1>
    %eq3A_172 = vector.broadcast %reduce_max3A_156 : i32 to vector<1x4096xi32>
    %eq3A_173 = arith.cmpi eq, %and3A_137, %eq3A_172 : vector<1x4096xi32>
    %and3A_174 = arith.andi %and3A_131, %eq3A_173 : vector<1x4096xi1>
    %jit3A_175 = arith.constant 1 : i32
    %jit3A_176 = arith.constant 0 : i32
    %broadcast_in_dim3A_177 = vector.broadcast %jit3A_175 : i32 to vector<1x4096xi32>
    %broadcast_in_dim3A_178 = vector.broadcast %jit3A_176 : i32 to vector<1x4096xi32>
    %select_n3A_179 = arith.select %and3A_174, %broadcast_in_dim3A_177, %broadcast_in_dim3A_178 : vector<1x4096xi1>, vector<1x4096xi32>
    %iota3A_180 = tpu.iota {dimensions = array<i32: 1>} : vector<1x4096xi32>
    %roll3A = arith.constant 1 : i32
    %roll3A_181 = tpu.dynamic_rotate %select_n3A_179 by %roll3A dim 1 : vector<1x4096xi32>, i32 -> vector<1x4096xi32>
    %ge3A_182 = arith.constant 1 : i32
    %ge3A_183 = vector.broadcast %ge3A_182 : i32 to vector<1x4096xi32>
    %ge3A_184 = arith.cmpi sge, %iota3A_180, %ge3A_183 : vector<1x4096xi32>
    %broadcast_in_dim3A_185 = arith.constant 0 : i32
    %broadcast_in_dim3A_186 = vector.broadcast %broadcast_in_dim3A_185 : i32 to vector<1x4096xi32>
    %select_n3A_187 = arith.select %ge3A_184, %roll3A_181, %broadcast_in_dim3A_186 : vector<1x4096xi1>, vector<1x4096xi32>
    %add3A = arith.addi %select_n3A_179, %select_n3A_187 : vector<1x4096xi32>
    %roll3A_188 = arith.constant 2 : i32
    %roll3A_189 = tpu.dynamic_rotate %add3A by %roll3A_188 dim 1 : vector<1x4096xi32>, i32 -> vector<1x4096xi32>
    %ge3A_190 = arith.constant 2 : i32
    %ge3A_191 = vector.broadcast %ge3A_190 : i32 to vector<1x4096xi32>
    %ge3A_192 = arith.cmpi sge, %iota3A_180, %ge3A_191 : vector<1x4096xi32>
    %broadcast_in_dim3A_193 = arith.constant 0 : i32
    %broadcast_in_dim3A_194 = vector.broadcast %broadcast_in_dim3A_193 : i32 to vector<1x4096xi32>
    %select_n3A_195 = arith.select %ge3A_192, %roll3A_189, %broadcast_in_dim3A_194 : vector<1x4096xi1>, vector<1x4096xi32>
    %add3A_196 = arith.addi %add3A, %select_n3A_195 : vector<1x4096xi32>
    %roll3A_197 = arith.constant 4 : i32
    %roll3A_198 = tpu.dynamic_rotate %add3A_196 by %roll3A_197 dim 1 : vector<1x4096xi32>, i32 -> vector<1x4096xi32>
    %ge3A_199 = arith.constant 4 : i32
    %ge3A_200 = vector.broadcast %ge3A_199 : i32 to vector<1x4096xi32>
    %ge3A_201 = arith.cmpi sge, %iota3A_180, %ge3A_200 : vector<1x4096xi32>
    %broadcast_in_dim3A_202 = arith.constant 0 : i32
    %broadcast_in_dim3A_203 = vector.broadcast %broadcast_in_dim3A_202 : i32 to vector<1x4096xi32>
    %select_n3A_204 = arith.select %ge3A_201, %roll3A_198, %broadcast_in_dim3A_203 : vector<1x4096xi1>, vector<1x4096xi32>
    %add3A_205 = arith.addi %add3A_196, %select_n3A_204 : vector<1x4096xi32>
    %roll3A_206 = arith.constant 8 : i32
    %roll3A_207 = tpu.dynamic_rotate %add3A_205 by %roll3A_206 dim 1 : vector<1x4096xi32>, i32 -> vector<1x4096xi32>
    %ge3A_208 = arith.constant 8 : i32
    %ge3A_209 = vector.broadcast %ge3A_208 : i32 to vector<1x4096xi32>
    %ge3A_210 = arith.cmpi sge, %iota3A_180, %ge3A_209 : vector<1x4096xi32>
    %broadcast_in_dim3A_211 = arith.constant 0 : i32
    %broadcast_in_dim3A_212 = vector.broadcast %broadcast_in_dim3A_211 : i32 to vector<1x4096xi32>
    %select_n3A_213 = arith.select %ge3A_210, %roll3A_207, %broadcast_in_dim3A_212 : vector<1x4096xi1>, vector<1x4096xi32>
    %add3A_214 = arith.addi %add3A_205, %select_n3A_213 : vector<1x4096xi32>
    %roll3A_215 = arith.constant 16 : i32
    %roll3A_216 = tpu.dynamic_rotate %add3A_214 by %roll3A_215 dim 1 : vector<1x4096xi32>, i32 -> vector<1x4096xi32>
    %ge3A_217 = arith.constant 16 : i32
    %ge3A_218 = vector.broadcast %ge3A_217 : i32 to vector<1x4096xi32>
    %ge3A_219 = arith.cmpi sge, %iota3A_180, %ge3A_218 : vector<1x4096xi32>
    %broadcast_in_dim3A_220 = arith.constant 0 : i32
    %broadcast_in_dim3A_221 = vector.broadcast %broadcast_in_dim3A_220 : i32 to vector<1x4096xi32>
    %select_n3A_222 = arith.select %ge3A_219, %roll3A_216, %broadcast_in_dim3A_221 : vector<1x4096xi1>, vector<1x4096xi32>
    %add3A_223 = arith.addi %add3A_214, %select_n3A_222 : vector<1x4096xi32>
    %roll3A_224 = arith.constant 32 : i32
    %roll3A_225 = tpu.dynamic_rotate %add3A_223 by %roll3A_224 dim 1 : vector<1x4096xi32>, i32 -> vector<1x4096xi32>
    %ge3A_226 = arith.constant 32 : i32
    %ge3A_227 = vector.broadcast %ge3A_226 : i32 to vector<1x4096xi32>
    %ge3A_228 = arith.cmpi sge, %iota3A_180, %ge3A_227 : vector<1x4096xi32>
    %broadcast_in_dim3A_229 = arith.constant 0 : i32
    %broadcast_in_dim3A_230 = vector.broadcast %broadcast_in_dim3A_229 : i32 to vector<1x4096xi32>
    %select_n3A_231 = arith.select %ge3A_228, %roll3A_225, %broadcast_in_dim3A_230 : vector<1x4096xi1>, vector<1x4096xi32>
    %add3A_232 = arith.addi %add3A_223, %select_n3A_231 : vector<1x4096xi32>
    %roll3A_233 = arith.constant 64 : i32
    %roll3A_234 = tpu.dynamic_rotate %add3A_232 by %roll3A_233 dim 1 : vector<1x4096xi32>, i32 -> vector<1x4096xi32>
    %ge3A_235 = arith.constant 64 : i32
    %ge3A_236 = vector.broadcast %ge3A_235 : i32 to vector<1x4096xi32>
    %ge3A_237 = arith.cmpi sge, %iota3A_180, %ge3A_236 : vector<1x4096xi32>
    %broadcast_in_dim3A_238 = arith.constant 0 : i32
    %broadcast_in_dim3A_239 = vector.broadcast %broadcast_in_dim3A_238 : i32 to vector<1x4096xi32>
    %select_n3A_240 = arith.select %ge3A_237, %roll3A_234, %broadcast_in_dim3A_239 : vector<1x4096xi1>, vector<1x4096xi32>
    %add3A_241 = arith.addi %add3A_232, %select_n3A_240 : vector<1x4096xi32>
    %roll3A_242 = arith.constant 128 : i32
    %roll3A_243 = tpu.dynamic_rotate %add3A_241 by %roll3A_242 dim 1 : vector<1x4096xi32>, i32 -> vector<1x4096xi32>
    %ge3A_244 = arith.constant 128 : i32
    %ge3A_245 = vector.broadcast %ge3A_244 : i32 to vector<1x4096xi32>
    %ge3A_246 = arith.cmpi sge, %iota3A_180, %ge3A_245 : vector<1x4096xi32>
    %broadcast_in_dim3A_247 = arith.constant 0 : i32
    %broadcast_in_dim3A_248 = vector.broadcast %broadcast_in_dim3A_247 : i32 to vector<1x4096xi32>
    %select_n3A_249 = arith.select %ge3A_246, %roll3A_243, %broadcast_in_dim3A_248 : vector<1x4096xi1>, vector<1x4096xi32>
    %add3A_250 = arith.addi %add3A_241, %select_n3A_249 : vector<1x4096xi32>
    %roll3A_251 = arith.constant 256 : i32
    %roll3A_252 = tpu.dynamic_rotate %add3A_250 by %roll3A_251 dim 1 : vector<1x4096xi32>, i32 -> vector<1x4096xi32>
    %ge3A_253 = arith.constant 256 : i32
    %ge3A_254 = vector.broadcast %ge3A_253 : i32 to vector<1x4096xi32>
    %ge3A_255 = arith.cmpi sge, %iota3A_180, %ge3A_254 : vector<1x4096xi32>
    %broadcast_in_dim3A_256 = arith.constant 0 : i32
    %broadcast_in_dim3A_257 = vector.broadcast %broadcast_in_dim3A_256 : i32 to vector<1x4096xi32>
    %select_n3A_258 = arith.select %ge3A_255, %roll3A_252, %broadcast_in_dim3A_257 : vector<1x4096xi1>, vector<1x4096xi32>
    %add3A_259 = arith.addi %add3A_250, %select_n3A_258 : vector<1x4096xi32>
    %roll3A_260 = arith.constant 512 : i32
    %roll3A_261 = tpu.dynamic_rotate %add3A_259 by %roll3A_260 dim 1 : vector<1x4096xi32>, i32 -> vector<1x4096xi32>
    %ge3A_262 = arith.constant 512 : i32
    %ge3A_263 = vector.broadcast %ge3A_262 : i32 to vector<1x4096xi32>
    %ge3A_264 = arith.cmpi sge, %iota3A_180, %ge3A_263 : vector<1x4096xi32>
    %broadcast_in_dim3A_265 = arith.constant 0 : i32
    %broadcast_in_dim3A_266 = vector.broadcast %broadcast_in_dim3A_265 : i32 to vector<1x4096xi32>
    %select_n3A_267 = arith.select %ge3A_264, %roll3A_261, %broadcast_in_dim3A_266 : vector<1x4096xi1>, vector<1x4096xi32>
    %add3A_268 = arith.addi %add3A_259, %select_n3A_267 : vector<1x4096xi32>
    %roll3A_269 = arith.constant 1024 : i32
    %roll3A_270 = tpu.dynamic_rotate %add3A_268 by %roll3A_269 dim 1 : vector<1x4096xi32>, i32 -> vector<1x4096xi32>
    %ge3A_271 = arith.constant 1024 : i32
    %ge3A_272 = vector.broadcast %ge3A_271 : i32 to vector<1x4096xi32>
    %ge3A_273 = arith.cmpi sge, %iota3A_180, %ge3A_272 : vector<1x4096xi32>
    %broadcast_in_dim3A_274 = arith.constant 0 : i32
    %broadcast_in_dim3A_275 = vector.broadcast %broadcast_in_dim3A_274 : i32 to vector<1x4096xi32>
    %select_n3A_276 = arith.select %ge3A_273, %roll3A_270, %broadcast_in_dim3A_275 : vector<1x4096xi1>, vector<1x4096xi32>
    %add3A_277 = arith.addi %add3A_268, %select_n3A_276 : vector<1x4096xi32>
    %roll3A_278 = arith.constant 2048 : i32
    %roll3A_279 = tpu.dynamic_rotate %add3A_277 by %roll3A_278 dim 1 : vector<1x4096xi32>, i32 -> vector<1x4096xi32>
    %ge3A_280 = arith.constant 2048 : i32
    %ge3A_281 = vector.broadcast %ge3A_280 : i32 to vector<1x4096xi32>
    %ge3A_282 = arith.cmpi sge, %iota3A_180, %ge3A_281 : vector<1x4096xi32>
    %broadcast_in_dim3A_283 = arith.constant 0 : i32
    %broadcast_in_dim3A_284 = vector.broadcast %broadcast_in_dim3A_283 : i32 to vector<1x4096xi32>
    %select_n3A_285 = arith.select %ge3A_282, %roll3A_279, %broadcast_in_dim3A_284 : vector<1x4096xi1>, vector<1x4096xi32>
    %add3A_286 = arith.addi %add3A_277, %select_n3A_285 : vector<1x4096xi32>
    %le3A = vector.broadcast %sub3A_170 : i32 to vector<1x4096xi32>
    %le3A_287 = arith.cmpi sle, %add3A_286, %le3A : vector<1x4096xi32>
    %and3A_288 = arith.andi %and3A_174, %le3A_287 : vector<1x4096xi1>
    %or3A_289 = arith.ori %or3A_171, %and3A_288 : vector<1x4096xi1>
    %jit3A_290 = arith.constant 1 : i32
    %jit3A_291 = arith.constant 0 : i32
    %broadcast_in_dim3A_292 = vector.broadcast %jit3A_290 : i32 to vector<1x4096xi32>
    %broadcast_in_dim3A_293 = vector.broadcast %jit3A_291 : i32 to vector<1x4096xi32>
    %select_n3A_294 = arith.select %or3A_289, %broadcast_in_dim3A_292, %broadcast_in_dim3A_293 : vector<1x4096xi1>, vector<1x4096xi32>
    %iota3A_295 = tpu.iota {dimensions = array<i32: 1>} : vector<1x4096xi32>
    %roll3A_296 = arith.constant 1 : i32
    %roll3A_297 = tpu.dynamic_rotate %select_n3A_294 by %roll3A_296 dim 1 : vector<1x4096xi32>, i32 -> vector<1x4096xi32>
    %ge3A_298 = arith.constant 1 : i32
    %ge3A_299 = vector.broadcast %ge3A_298 : i32 to vector<1x4096xi32>
    %ge3A_300 = arith.cmpi sge, %iota3A_295, %ge3A_299 : vector<1x4096xi32>
    %broadcast_in_dim3A_301 = arith.constant 0 : i32
    %broadcast_in_dim3A_302 = vector.broadcast %broadcast_in_dim3A_301 : i32 to vector<1x4096xi32>
    %select_n3A_303 = arith.select %ge3A_300, %roll3A_297, %broadcast_in_dim3A_302 : vector<1x4096xi1>, vector<1x4096xi32>
    %add3A_304 = arith.addi %select_n3A_294, %select_n3A_303 : vector<1x4096xi32>
    %roll3A_305 = arith.constant 2 : i32
    %roll3A_306 = tpu.dynamic_rotate %add3A_304 by %roll3A_305 dim 1 : vector<1x4096xi32>, i32 -> vector<1x4096xi32>
    %ge3A_307 = arith.constant 2 : i32
    %ge3A_308 = vector.broadcast %ge3A_307 : i32 to vector<1x4096xi32>
    %ge3A_309 = arith.cmpi sge, %iota3A_295, %ge3A_308 : vector<1x4096xi32>
    %broadcast_in_dim3A_310 = arith.constant 0 : i32
    %broadcast_in_dim3A_311 = vector.broadcast %broadcast_in_dim3A_310 : i32 to vector<1x4096xi32>
    %select_n3A_312 = arith.select %ge3A_309, %roll3A_306, %broadcast_in_dim3A_311 : vector<1x4096xi1>, vector<1x4096xi32>
    %add3A_313 = arith.addi %add3A_304, %select_n3A_312 : vector<1x4096xi32>
    %roll3A_314 = arith.constant 4 : i32
    %roll3A_315 = tpu.dynamic_rotate %add3A_313 by %roll3A_314 dim 1 : vector<1x4096xi32>, i32 -> vector<1x4096xi32>
    %ge3A_316 = arith.constant 4 : i32
    %ge3A_317 = vector.broadcast %ge3A_316 : i32 to vector<1x4096xi32>
    %ge3A_318 = arith.cmpi sge, %iota3A_295, %ge3A_317 : vector<1x4096xi32>
    %broadcast_in_dim3A_319 = arith.constant 0 : i32
    %broadcast_in_dim3A_320 = vector.broadcast %broadcast_in_dim3A_319 : i32 to vector<1x4096xi32>
    %select_n3A_321 = arith.select %ge3A_318, %roll3A_315, %broadcast_in_dim3A_320 : vector<1x4096xi1>, vector<1x4096xi32>
    %add3A_322 = arith.addi %add3A_313, %select_n3A_321 : vector<1x4096xi32>
    %roll3A_323 = arith.constant 8 : i32
    %roll3A_324 = tpu.dynamic_rotate %add3A_322 by %roll3A_323 dim 1 : vector<1x4096xi32>, i32 -> vector<1x4096xi32>
    %ge3A_325 = arith.constant 8 : i32
    %ge3A_326 = vector.broadcast %ge3A_325 : i32 to vector<1x4096xi32>
    %ge3A_327 = arith.cmpi sge, %iota3A_295, %ge3A_326 : vector<1x4096xi32>
    %broadcast_in_dim3A_328 = arith.constant 0 : i32
    %broadcast_in_dim3A_329 = vector.broadcast %broadcast_in_dim3A_328 : i32 to vector<1x4096xi32>
    %select_n3A_330 = arith.select %ge3A_327, %roll3A_324, %broadcast_in_dim3A_329 : vector<1x4096xi1>, vector<1x4096xi32>
    %add3A_331 = arith.addi %add3A_322, %select_n3A_330 : vector<1x4096xi32>
    %roll3A_332 = arith.constant 16 : i32
    %roll3A_333 = tpu.dynamic_rotate %add3A_331 by %roll3A_332 dim 1 : vector<1x4096xi32>, i32 -> vector<1x4096xi32>
    %ge3A_334 = arith.constant 16 : i32
    %ge3A_335 = vector.broadcast %ge3A_334 : i32 to vector<1x4096xi32>
    %ge3A_336 = arith.cmpi sge, %iota3A_295, %ge3A_335 : vector<1x4096xi32>
    %broadcast_in_dim3A_337 = arith.constant 0 : i32
    %broadcast_in_dim3A_338 = vector.broadcast %broadcast_in_dim3A_337 : i32 to vector<1x4096xi32>
    %select_n3A_339 = arith.select %ge3A_336, %roll3A_333, %broadcast_in_dim3A_338 : vector<1x4096xi1>, vector<1x4096xi32>
    %add3A_340 = arith.addi %add3A_331, %select_n3A_339 : vector<1x4096xi32>
    %roll3A_341 = arith.constant 32 : i32
    %roll3A_342 = tpu.dynamic_rotate %add3A_340 by %roll3A_341 dim 1 : vector<1x4096xi32>, i32 -> vector<1x4096xi32>
    %ge3A_343 = arith.constant 32 : i32
    %ge3A_344 = vector.broadcast %ge3A_343 : i32 to vector<1x4096xi32>
    %ge3A_345 = arith.cmpi sge, %iota3A_295, %ge3A_344 : vector<1x4096xi32>
    %broadcast_in_dim3A_346 = arith.constant 0 : i32
    %broadcast_in_dim3A_347 = vector.broadcast %broadcast_in_dim3A_346 : i32 to vector<1x4096xi32>
    %select_n3A_348 = arith.select %ge3A_345, %roll3A_342, %broadcast_in_dim3A_347 : vector<1x4096xi1>, vector<1x4096xi32>
    %add3A_349 = arith.addi %add3A_340, %select_n3A_348 : vector<1x4096xi32>
    %roll3A_350 = arith.constant 64 : i32
    %roll3A_351 = tpu.dynamic_rotate %add3A_349 by %roll3A_350 dim 1 : vector<1x4096xi32>, i32 -> vector<1x4096xi32>
    %ge3A_352 = arith.constant 64 : i32
    %ge3A_353 = vector.broadcast %ge3A_352 : i32 to vector<1x4096xi32>
    %ge3A_354 = arith.cmpi sge, %iota3A_295, %ge3A_353 : vector<1x4096xi32>
    %broadcast_in_dim3A_355 = arith.constant 0 : i32
    %broadcast_in_dim3A_356 = vector.broadcast %broadcast_in_dim3A_355 : i32 to vector<1x4096xi32>
    %select_n3A_357 = arith.select %ge3A_354, %roll3A_351, %broadcast_in_dim3A_356 : vector<1x4096xi1>, vector<1x4096xi32>
    %add3A_358 = arith.addi %add3A_349, %select_n3A_357 : vector<1x4096xi32>
    %roll3A_359 = arith.constant 128 : i32
    %roll3A_360 = tpu.dynamic_rotate %add3A_358 by %roll3A_359 dim 1 : vector<1x4096xi32>, i32 -> vector<1x4096xi32>
    %ge3A_361 = arith.constant 128 : i32
    %ge3A_362 = vector.broadcast %ge3A_361 : i32 to vector<1x4096xi32>
    %ge3A_363 = arith.cmpi sge, %iota3A_295, %ge3A_362 : vector<1x4096xi32>
    %broadcast_in_dim3A_364 = arith.constant 0 : i32
    %broadcast_in_dim3A_365 = vector.broadcast %broadcast_in_dim3A_364 : i32 to vector<1x4096xi32>
    %select_n3A_366 = arith.select %ge3A_363, %roll3A_360, %broadcast_in_dim3A_365 : vector<1x4096xi1>, vector<1x4096xi32>
    %add3A_367 = arith.addi %add3A_358, %select_n3A_366 : vector<1x4096xi32>
    %roll3A_368 = arith.constant 256 : i32
    %roll3A_369 = tpu.dynamic_rotate %add3A_367 by %roll3A_368 dim 1 : vector<1x4096xi32>, i32 -> vector<1x4096xi32>
    %ge3A_370 = arith.constant 256 : i32
    %ge3A_371 = vector.broadcast %ge3A_370 : i32 to vector<1x4096xi32>
    %ge3A_372 = arith.cmpi sge, %iota3A_295, %ge3A_371 : vector<1x4096xi32>
    %broadcast_in_dim3A_373 = arith.constant 0 : i32
    %broadcast_in_dim3A_374 = vector.broadcast %broadcast_in_dim3A_373 : i32 to vector<1x4096xi32>
    %select_n3A_375 = arith.select %ge3A_372, %roll3A_369, %broadcast_in_dim3A_374 : vector<1x4096xi1>, vector<1x4096xi32>
    %add3A_376 = arith.addi %add3A_367, %select_n3A_375 : vector<1x4096xi32>
    %roll3A_377 = arith.constant 512 : i32
    %roll3A_378 = tpu.dynamic_rotate %add3A_376 by %roll3A_377 dim 1 : vector<1x4096xi32>, i32 -> vector<1x4096xi32>
    %ge3A_379 = arith.constant 512 : i32
    %ge3A_380 = vector.broadcast %ge3A_379 : i32 to vector<1x4096xi32>
    %ge3A_381 = arith.cmpi sge, %iota3A_295, %ge3A_380 : vector<1x4096xi32>
    %broadcast_in_dim3A_382 = arith.constant 0 : i32
    %broadcast_in_dim3A_383 = vector.broadcast %broadcast_in_dim3A_382 : i32 to vector<1x4096xi32>
    %select_n3A_384 = arith.select %ge3A_381, %roll3A_378, %broadcast_in_dim3A_383 : vector<1x4096xi1>, vector<1x4096xi32>
    %add3A_385 = arith.addi %add3A_376, %select_n3A_384 : vector<1x4096xi32>
    %roll3A_386 = arith.constant 1024 : i32
    %roll3A_387 = tpu.dynamic_rotate %add3A_385 by %roll3A_386 dim 1 : vector<1x4096xi32>, i32 -> vector<1x4096xi32>
    %ge3A_388 = arith.constant 1024 : i32
    %ge3A_389 = vector.broadcast %ge3A_388 : i32 to vector<1x4096xi32>
    %ge3A_390 = arith.cmpi sge, %iota3A_295, %ge3A_389 : vector<1x4096xi32>
    %broadcast_in_dim3A_391 = arith.constant 0 : i32
    %broadcast_in_dim3A_392 = vector.broadcast %broadcast_in_dim3A_391 : i32 to vector<1x4096xi32>
    %select_n3A_393 = arith.select %ge3A_390, %roll3A_387, %broadcast_in_dim3A_392 : vector<1x4096xi1>, vector<1x4096xi32>
    %add3A_394 = arith.addi %add3A_385, %select_n3A_393 : vector<1x4096xi32>
    %roll3A_395 = arith.constant 2048 : i32
    %roll3A_396 = tpu.dynamic_rotate %add3A_394 by %roll3A_395 dim 1 : vector<1x4096xi32>, i32 -> vector<1x4096xi32>
    %ge3A_397 = arith.constant 2048 : i32
    %ge3A_398 = vector.broadcast %ge3A_397 : i32 to vector<1x4096xi32>
    %ge3A_399 = arith.cmpi sge, %iota3A_295, %ge3A_398 : vector<1x4096xi32>
    %broadcast_in_dim3A_400 = arith.constant 0 : i32
    %broadcast_in_dim3A_401 = vector.broadcast %broadcast_in_dim3A_400 : i32 to vector<1x4096xi32>
    %select_n3A_402 = arith.select %ge3A_399, %roll3A_396, %broadcast_in_dim3A_401 : vector<1x4096xi1>, vector<1x4096xi32>
    %add3A_403 = arith.addi %add3A_394, %select_n3A_402 : vector<1x4096xi32>
    %sub3A_404 = arith.constant 1 : i32
    %sub3A_405 = vector.broadcast %sub3A_404 : i32 to vector<1x4096xi32>
    %sub3A_406 = arith.subi %add3A_403, %sub3A_405 : vector<1x4096xi32>
    %iota3A_407 = tpu.iota {dimensions = array<i32: 1>} : vector<1x4096xi32>
    %get3A_408 = arith.constant 0 : index
    %get3A_409 = arith.constant 0 : index
    %get3A_410 = vector.load %arg1[%get3A_408, %get3A_409] : memref<1x4096xi32, #tpu.memory_space<vmem>>, vector<1x4096xi32>
    %scan3A = arith.constant 0 : i32
    %scan3A_411 = arith.constant 8 : i32
    %scan3A_412 = arith.addi %scan3A, %scan3A_411 : i32
    %scan3A_413 = arith.constant 1 : i32
    scf.for %scan3A_415 = %scan3A to %scan3A_412 step %scan3A_413  : i32 {
      %iota3A_416 = tpu.iota {dimensions = array<i32: 0>} : vector<128x4096xi32>
      %mul3A = arith.constant 128 : i32
      %mul3A_417 = arith.muli %scan3A_415, %mul3A : i32
      %add3A_418 = vector.broadcast %mul3A_417 : i32 to vector<128x4096xi32>
      %add3A_419 = arith.addi %iota3A_416, %add3A_418 : vector<128x4096xi32>
      %eq3A_420 = vector.broadcast %sub3A_406 : vector<1x4096xi32> to vector<128x4096xi32>
      %eq3A_421 = arith.cmpi eq, %eq3A_420, %add3A_419 : vector<128x4096xi32>
      %and3A_422 = vector.broadcast %or3A_289 : vector<1x4096xi1> to vector<128x4096xi1>
      %and3A_423 = arith.andi %eq3A_421, %and3A_422 : vector<128x4096xi1>
      %jit3A_424 = arith.constant -1 : i32
      %broadcast_in_dim3A_425 = vector.shape_cast %iota3A_407 : vector<1x4096xi32> to vector<1x4096xi32>
      %broadcast_in_dim3A_426 = vector.broadcast %broadcast_in_dim3A_425 : vector<1x4096xi32> to vector<128x4096xi32>
      %broadcast_in_dim3A_427 = vector.broadcast %jit3A_424 : i32 to vector<128x4096xi32>
      %select_n3A_428 = arith.select %and3A_423, %broadcast_in_dim3A_426, %broadcast_in_dim3A_427 : vector<128x4096xi1>, vector<128x4096xi32>
      %reduce_max3A_429 = arith.constant dense<-2147483648> : vector<128xi32>
      %reduce_max3A_430 = vector.multi_reduction <maxsi>, %select_n3A_428, %reduce_max3A_429 [1] : vector<128x4096xi32> to vector<128xi32>
      %broadcast_in_dim3A_431 = vector.shape_cast %reduce_max3A_430 : vector<128xi32> to vector<128x1xi32>
      %jit3A_432 = arith.constant -1 : i32
      %broadcast_in_dim3A_433 = vector.shape_cast %get3A_410 : vector<1x4096xi32> to vector<1x4096xi32>
      %broadcast_in_dim3A_434 = vector.broadcast %broadcast_in_dim3A_433 : vector<1x4096xi32> to vector<128x4096xi32>
      %broadcast_in_dim3A_435 = vector.broadcast %jit3A_432 : i32 to vector<128x4096xi32>
      %select_n3A_436 = arith.select %and3A_423, %broadcast_in_dim3A_434, %broadcast_in_dim3A_435 : vector<128x4096xi1>, vector<128x4096xi32>
      %reduce_max3A_437 = arith.constant dense<-2147483648> : vector<128xi32>
      %reduce_max3A_438 = vector.multi_reduction <maxsi>, %select_n3A_436, %reduce_max3A_437 [1] : vector<128x4096xi32> to vector<128xi32>
      %broadcast_in_dim3A_439 = vector.shape_cast %reduce_max3A_438 : vector<128xi32> to vector<128x1xi32>
      %mul3A_440 = arith.constant 128 : i32
      %mul3A_441 = arith.muli %scan3A_415, %mul3A_440 : i32
      %swap3A = arith.index_cast %mul3A_441 : i32 to index
      %swap3A_442 = arith.constant 0 : index
      %swap3A_443 = vector.load %arg2[%swap3A, %swap3A_442] : memref<1024x1xi32, #tpu.memory_space<vmem>>, vector<128x1xi32>
      tpu.vector_store %arg2[%swap3A, %swap3A_442], %broadcast_in_dim3A_431 {strides = array<i32>} : memref<1024x1xi32, #tpu.memory_space<vmem>>, vector<128x1xi32>,
      %mul3A_444 = arith.constant 128 : i32
      %mul3A_445 = arith.muli %scan3A_415, %mul3A_444 : i32
      %swap3A_446 = arith.index_cast %mul3A_445 : i32 to index
      %swap3A_447 = arith.constant 0 : index
      %swap3A_448 = vector.load %arg3[%swap3A_446, %swap3A_447] : memref<1024x1xi32, #tpu.memory_space<vmem>>, vector<128x1xi32>
      tpu.vector_store %arg3[%swap3A_446, %swap3A_447], %broadcast_in_dim3A_439 {strides = array<i32>} : memref<1024x1xi32, #tpu.memory_space<vmem>>, vector<128x1xi32>,
    }
    %scan3A_414 = arith.constant 8 : i32
    return
  }
}

module attributes {stable_mosaic.version = 14 : i64} {
  func.func @_mt_kernel(%arg0: i32, %arg1: i32, %arg2: memref<1024x512xf32, #tpu.memory_space<vmem>>, %arg3: memref<1024x1024xf32, #tpu.memory_space<vmem>>, %arg4: memref<512x1024xf32, #tpu.memory_space<vmem>>) attributes {dimension_semantics = [#tpu.dimension_semantics<arbitrary>, #tpu.dimension_semantics<arbitrary>], iteration_bounds = array<i64: 8, 4>, scalar_prefetch = 0 : i64, scratch_operands = 0 : i64, tpu.core_type = #tpu.core_type<tc>, window_params = [{transform_indices = @transform_0, window_bounds = array<i64: 1024, 512>}, {transform_indices = @transform_1, window_bounds = array<i64: 1024, 1024>}, {transform_indices = @transform_2, window_bounds = array<i64: 512, 1024>}]} {
    %eq3A = arith.constant 0 : i32
    %eq3A_0 = arith.cmpi eq, %arg1, %eq3A : i32
    %convert_element_type3A = arith.extui %eq3A_0 : i1 to i32
    %cond3A = arith.constant 0 : i32
    %cond3A_1 = arith.cmpi ne, %convert_element_type3A, %cond3A : i32
    scf.if %cond3A_1 {
      %broadcast_in_dim3A = arith.constant 0.000000e+00 : f32
      %broadcast_in_dim3A_13 = vector.broadcast %broadcast_in_dim3A : f32 to vector<512x1024xf32>
      %swap3A_14 = arith.constant 0 : index
      %swap3A_15 = arith.constant 0 : index
      %swap3A_16 = vector.load %arg4[%swap3A_14, %swap3A_15] : memref<512x1024xf32, #tpu.memory_space<vmem>>, vector<512x1024xf32>
      tpu.vector_store %arg4[%swap3A_14, %swap3A_15], %broadcast_in_dim3A_13 {strides = array<i32>} : memref<512x1024xf32, #tpu.memory_space<vmem>>, vector<512x1024xf32>,
    } else {
    }
    %get3A = arith.constant 0 : index
    %get3A_2 = arith.constant 0 : index
    %get3A_3 = vector.load %arg4[%get3A, %get3A_2] : memref<512x1024xf32, #tpu.memory_space<vmem>>, vector<512x1024xf32>
    %get3A_4 = arith.constant 0 : index
    %get3A_5 = arith.constant 0 : index
    %get3A_6 = vector.load %arg2[%get3A_4, %get3A_5] : memref<1024x512xf32, #tpu.memory_space<vmem>>, vector<1024x512xf32>
    %get3A_7 = arith.constant 0 : index
    %get3A_8 = arith.constant 0 : index
    %get3A_9 = vector.load %arg3[%get3A_7, %get3A_8] : memref<1024x1024xf32, #tpu.memory_space<vmem>>, vector<1024x1024xf32>
    %dot_general3A = arith.constant dense<0.000000e+00> : vector<512x1024xf32>
    %dot_general3A_10 = tpu.matmul %get3A_6, %get3A_9, %dot_general3A {dimension_numbers = #tpu.dot_dimension_numbers<[0], [1], [1], [0], [0, 1, 1, 0], [], []>, transpose_lhs_hint = false} : vector<1024x512xf32>, vector<1024x1024xf32>, vector<512x1024xf32> -> vector<512x1024xf32>
    %add3A = arith.addf %get3A_3, %dot_general3A_10 : vector<512x1024xf32>
    %swap3A = arith.constant 0 : index
    %swap3A_11 = arith.constant 0 : index
    %swap3A_12 = vector.load %arg4[%swap3A, %swap3A_11] : memref<512x1024xf32, #tpu.memory_space<vmem>>, vector<512x1024xf32>
    tpu.vector_store %arg4[%swap3A, %swap3A_11], %add3A {strides = array<i32>} : memref<512x1024xf32, #tpu.memory_space<vmem>>, vector<512x1024xf32>,
    return
  }
  func.func @transform_0(%arg0: i32, %arg1: i32) -> (i32, i32) {
    %c0_i32 = arith.constant 0 : i32
    return %arg1, %arg0 : i32, i32
  }
  func.func @transform_1(%arg0: i32, %arg1: i32) -> (i32, i32) {
    %c0_i32 = arith.constant 0 : i32
    %c0_i32_0 = arith.constant 0 : i32
    return %c0_i32, %arg1 : i32, i32
  }
  func.func @transform_2(%arg0: i32, %arg1: i32) -> (i32, i32) {
    %c0_i32 = arith.constant 0 : i32
    %c0_i32_0 = arith.constant 0 : i32
    return %arg0, %c0_i32 : i32, i32
  }
}

module attributes {stable_mosaic.version = 14 : i64} {
  func.func @_feat_kernel(%arg0: i32, %arg1: memref<256x512xf32, #tpu.memory_space<vmem>>, %arg2: memref<256x1xf32, #tpu.memory_space<vmem>>, %arg3: memref<256x512xf32, #tpu.memory_space<vmem>>) attributes {dimension_semantics = [#tpu.dimension_semantics<arbitrary>], iteration_bounds = array<i64: 16>, scalar_prefetch = 0 : i64, scratch_operands = 0 : i64, tpu.core_type = #tpu.core_type<tc>, window_params = [{transform_indices = @transform_0, window_bounds = array<i64: 256, 512>}, {transform_indices = @transform_1, window_bounds = array<i64: 256, 1>}, {transform_indices = @transform_2, window_bounds = array<i64: 256, 512>}]} {
    %get3A = arith.constant 0 : index
    %get3A_0 = arith.constant 0 : index
    %get3A_1 = vector.load %arg1[%get3A, %get3A_0] : memref<256x512xf32, #tpu.memory_space<vmem>>, vector<256x512xf32>
    %get3A_2 = arith.constant 0 : index
    %get3A_3 = arith.constant 0 : index
    %get3A_4 = vector.load %arg2[%get3A_2, %get3A_3] : memref<256x1xf32, #tpu.memory_space<vmem>>, vector<256x1xf32>
    %tanh3A = math.tanh %get3A_4 : vector<256x1xf32>
    %mul3A = vector.broadcast %tanh3A : vector<256x1xf32> to vector<256x512xf32>
    %mul3A_5 = arith.mulf %get3A_1, %mul3A : vector<256x512xf32>
    %swap3A = arith.constant 0 : index
    %swap3A_6 = arith.constant 0 : index
    %swap3A_7 = vector.load %arg3[%swap3A, %swap3A_6] : memref<256x512xf32, #tpu.memory_space<vmem>>, vector<256x512xf32>
    tpu.vector_store %arg3[%swap3A, %swap3A_6], %mul3A_5 {strides = array<i32>} : memref<256x512xf32, #tpu.memory_space<vmem>>, vector<256x512xf32>,
    return
  }
  func.func @transform_0(%arg0: i32) -> (i32, i32) {
    %c0_i32 = arith.constant 0 : i32
    %c0_i32_0 = arith.constant 0 : i32
    return %arg0, %c0_i32 : i32, i32
  }
  func.func @transform_1(%arg0: i32) -> (i32, i32) {
    %c0_i32 = arith.constant 0 : i32
    %c0_i32_0 = arith.constant 0 : i32
    return %arg0, %c0_i32 : i32, i32
  }
  func.func @transform_2(%arg0: i32) -> (i32, i32) {
    %c0_i32 = arith.constant 0 : i32
    %c0_i32_0 = arith.constant 0 : i32
    return %arg0, %c0_i32 : i32, i32
  }
}

module attributes {stable_mosaic.version = 14 : i64} {
  func.func @_transpose_kernel(%arg0: i32, %arg1: i32, %arg2: memref<256x256xf32, #tpu.memory_space<vmem>>, %arg3: memref<256x256xf32, #tpu.memory_space<vmem>>) attributes {dimension_semantics = [#tpu.dimension_semantics<arbitrary>, #tpu.dimension_semantics<arbitrary>], iteration_bounds = array<i64: 4, 4>, scalar_prefetch = 0 : i64, scratch_operands = 0 : i64, tpu.core_type = #tpu.core_type<tc>, window_params = [{transform_indices = @transform_0, window_bounds = array<i64: 256, 256>}, {transform_indices = @transform_1, window_bounds = array<i64: 256, 256>}]} {
    %get3A = arith.constant 0 : index
    %get3A_0 = arith.constant 0 : index
    %get3A_1 = vector.load %arg2[%get3A, %get3A_0] : memref<256x256xf32, #tpu.memory_space<vmem>>, vector<256x256xf32>
    %transpose3A = tpu.transpose %get3A_1, [1, 0] : vector<256x256xf32> -> vector<256x256xf32>
    %swap3A = arith.constant 0 : index
    %swap3A_2 = arith.constant 0 : index
    %swap3A_3 = vector.load %arg3[%swap3A, %swap3A_2] : memref<256x256xf32, #tpu.memory_space<vmem>>, vector<256x256xf32>
    tpu.vector_store %arg3[%swap3A, %swap3A_2], %transpose3A {strides = array<i32>} : memref<256x256xf32, #tpu.memory_space<vmem>>, vector<256x256xf32>,
    return
  }
  func.func @transform_0(%arg0: i32, %arg1: i32) -> (i32, i32) {
    %c0_i32 = arith.constant 0 : i32
    return %arg0, %arg1 : i32, i32
  }
  func.func @transform_1(%arg0: i32, %arg1: i32) -> (i32, i32) {
    %c0_i32 = arith.constant 0 : i32
    return %arg1, %arg0 : i32, i32
  }
}

</mosaic_0001>

<sc_bundles>
// kernel: kernel.11.cloned.1.call-start
scs
__scs_entry_jumppad:
0x0: {  	(pc) =	sbr.rel $0x88, $3  }
0x1: {  	(tag) =	ssettag $0x0;
	lr =	simm.s32 $0x1  }
0x2: {  	[smem:$0x3F9D] =	sst lr;
	_ =	strace $0xD0000000  }
0x3: {  	_ = 	snop  }
0x4: {  	_ = 	snop  }
0x5: {  	_ = 	snop  }
0x6: {  	_ = 	snop  }
0x7: {  	_ = 	snop  }
__scs_overlays_trampoline_lowered:
0x8: {  	[smem:$0x3FAC] =	sst s0  }
0x9: {  	[smem:$0x3FAD] =	sst s1  }
0xa: {  	[smem:$0x3FAE] =	sst s2  }
0xb: {  	[smem:$0x3FAF] =	sst s3  }
0xc: {  	[smem:$0x3FB0] =	sst s4  }
0xd: {  	[smem:$0x3FB1] =	sst s5  }
0xe: {  	[smem:$0x3FB2] =	sst s6  }
0xf: {  	[smem:$0x3FB3] =	sst s7  }
0x10: {  	[smem:$0x3FB4] =	sst s8  }
0x11: {  	[smem:$0x3FB5] =	sst s9;
	s0 =	simm.s32 @!p0 $0x0  }
0x12: {  	s1 =	sld [smem:$0x3F9B];
	s0 =	simm.s32 @p0 $0x1  }
0x13: {  	[smem:$0x3FB6] =	sst s0;
	s0 =	simm.s32 @!p1 $0x0  }
0x14: {  	s2 =	sld [smem:$0x3F9A];
	s0 =	simm.s32 @p1 $0x1  }
0x15: {  	[smem:$0x3FB7] =	sst s0;
	s0 =	simm.s32 @!p2 $0x0  }
0x16: {  	s3 =	sld [smem:$0x3FDB];
	s0 =	simm.s32 @p2 $0x1  }
0x17: {  	s4 =	simm.s32 $0x1BF5;
	[smem:$0x3FB9] =	sst s0  }
0x18: {  	s0 =	sld [smem:$0x3F9C];
	_ =	swait.ge [sflag:s4], $0x0  }
0x19: {  	s7 =	sld [smem:$0x3F9D]  }
0x1a: {  	s8 =	sadd.s32 $0xFFFFE003, lr  }
0x1b: {  	s9 =	sadd.s32 $0xFFFFFEF7, lr;
	s5 =	simm.s32 $0xFFFFFFFF;
	p2 =	slt.u32 s8, $0xFFFFF086  }
0x1c: {  	p1 =	slt.u32 s9, $0xF7A;
	s5 =	simm.s32 @!p2 $0x0  }
0x1d: {  	s5 =	simm.s32 @p1 $0x1;
	p0 =	seq.s32 s7, s2  }
0x1e: {  	s7 =	smul.u32 @!p0 $0xF7A, s2;
	p2 =	seq.s32 @!p0 s5, $0x0  }
0x1f: {  	s9 =	smul.u32 $0xF7A, s1;
	s8 =	simm.s32 @!p0 $0x1BF5;
	p2 =	por !p2, p0  }
0x20: {  	[sflag:s8] =	ssyncset.s32 @!p0 $0xFFFFF086;
	s6 =	sadd.s32 @!p0 s3, s7;
	s7 =	simm.s32 @!p0 $0x108  }
0x21: {  	s3 =	sadd.s32 s3, s9;
	s6 =	sadd.s32 @!p0 $0x88, s6;
	s7 =	simm.s32 @p2 $0x1082  }
0x22: {  	[simem:s7], [sflag:s8] =	dma.local @!p0 [hbm:s6], $0xF7A  }
0x23: {  	s9 =	sor.u32 $0xD0000000, s2;
	s6 =	simm.s32 $0x108;
	_ =	swait.ge @!p0 [sflag:s8], $0x0  }
0x24: {  	s3 =	sadd.s32 $0x88, s3;
	s6 =	simm.s32 @!p1 $0x1082;
	[sflag:s4] =	ssyncset.s32 $0xFFFFF086  }
0x25: {  	[simem:s6], [sflag:s4] =	dma.local [hbm:s3], $0xF7A  }
0x26: {  	[smem:$0x3F9D] =	sst s1;
	(tag) =	ssettag s2;
	_ =	strace s9  }
0x27: {  	s1 =	sld [smem:$0x3FAD]  }
0x28: {  	s2 =	sld [smem:$0x3FAE]  }
0x29: {  	s4 =	sld [smem:$0x3FB0]  }
0x2a: {  	p0 =	seq.s32 s5, $0x0;
	s5 =	sld [smem:$0x3FB1]  }
0x2b: {  	s6 =	sld [smem:$0x3FB2]  }
0x2c: {  	s7 =	sld [smem:$0x3FB3]  }
0x2d: {  	s3 =	simm.s32 $0x108;
	s8 =	sld [smem:$0x3FB4]  }
0x2e: {  	s3 =	simm.s32 @!p0 $0x1082;
	s9 =	sld [smem:$0x3FB5]  }
0x2f: {  	lr =	sadd.s32 s0, s3;
	s0 =	sld [smem:$0x3FAC]  }
0x30: {  	s3 =	sld [smem:$0x3FAF]  }
0x31: {  	[smem:$0x3FB8] =	sst s10  }
0x32: {  	s10 =	sld [smem:$0x3FB6];
	_ =	sdelay $0x3  }
0x33: {  	p0 =	seq.s32 s10, $0x1;
	s10 =	sld [smem:$0x3FB8];
	_ =	sdelay $0x3  }
0x34: {  	[smem:$0x3FB8] =	sst s10  }
0x35: {  	s10 =	sld [smem:$0x3FB7];
	_ =	sdelay $0x3  }
0x36: {  	p1 =	seq.s32 s10, $0x1;
	s10 =	sld [smem:$0x3FB8];
	_ =	sdelay $0x3  }
0x37: {  	[smem:$0x3FB8] =	sst s10  }
0x38: {  	s10 =	sld [smem:$0x3FB9]  }
0x39: {  	_ = 	snop;
	(pc) =	sbr.ind lr, $3  }
0x3a: {  	_ = 	snop  }
0x3b: {  	_ = 	snop  }
0x3c: {  	p2 =	seq.s32 s10, $0x1;
	s10 =	sld [smem:$0x3FB8]  }
0x3d: {  	_ =	shalt  }
0x3e: {  	_ =	shalt  }
0x3f: {  	_ =	shalt  }
0x40: {  	_ =	shalt  }
0x41: {  	_ =	shalt  }
0x42: {  	_ =	shalt  }
0x43: {  	_ =	shalt  }
0x44: {  	_ =	shalt  }
0x45: {  	_ =	shalt  }
0x46: {  	_ =	shalt  }
0x47: {  	_ =	shalt  }
0x48: {  	_ =	shalt  }
0x49: {  	_ =	shalt  }
0x4a: {  	_ =	shalt  }
0x4b: {  	_ =	shalt  }
0x4c: {  	_ =	shalt  }
0x4d: {  	_ =	shalt  }
0x4e: {  	_ =	shalt  }
0x4f: {  	_ =	shalt  }
0x50: {  	_ =	shalt  }
0x51: {  	_ =	shalt  }
0x52: {  	_ =	shalt  }
0x53: {  	_ =	shalt  }
0x54: {  	_ =	shalt  }
0x55: {  	_ =	shalt  }
0x56: {  	_ =	shalt  }
0x57: {  	_ =	shalt  }
0x58: {  	_ =	shalt  }
0x59: {  	_ =	shalt  }
0x5a: {  	_ =	shalt  }
0x5b: {  	_ =	shalt  }
0x5c: {  	_ =	shalt  }
0x5d: {  	_ =	shalt  }
0x5e: {  	_ =	shalt  }
0x5f: {  	_ =	shalt  }
0x60: {  	_ =	shalt  }
0x61: {  	_ =	shalt  }
0x62: {  	_ =	shalt  }
0x63: {  	_ =	shalt  }
0x64: {  	_ =	shalt  }
0x65: {  	_ =	shalt  }
0x66: {  	_ =	shalt  }
0x67: {  	_ =	shalt  }
0x68: {  	_ =	shalt  }
0x69: {  	_ =	shalt  }
0x6a: {  	_ =	shalt  }
0x6b: {  	_ =	shalt  }
0x6c: {  	_ =	shalt  }
0x6d: {  	_ =	shalt  }
0x6e: {  	_ =	shalt  }
0x6f: {  	_ =	shalt  }
0x70: {  	_ =	shalt  }
0x71: {  	_ =	shalt  }
0x72: {  	_ =	shalt  }
0x73: {  	_ =	shalt  }
0x74: {  	_ =	shalt  }
0x75: {  	_ =	shalt  }
0x76: {  	_ =	shalt  }
0x77: {  	_ =	shalt  }
0x78: {  	_ =	shalt  }
0x79: {  	_ =	shalt  }
0x7a: {  	_ =	shalt  }
0x7b: {  	_ =	shalt  }
0x7c: {  	_ =	shalt  }
0x7d: {  	_ =	shalt  }
0x7e: {  	_ =	shalt  }
0x7f: {  	_ =	shalt  }
0x80: {  	_ =	shalt  }
0x81: {  	_ =	shalt  }
0x82: {  	_ =	shalt  }
0x83: {  	_ =	shalt  }
0x84: {  	_ =	shalt  }
0x85: {  	_ =	shalt  }
0x86: {  	_ =	shalt  }
0x87: {  	_ =	shalt  }
.Lfunc_end0:
.L_simem_size_0:
called_computation_lowered:
.L_overlay_start_0:
0x88: {  	s2 =	sld [smem:$0x3FD9]  }
0x89: {  	s3 =	sld [smem:$0x3FFE];
	_ =	sdelay $0x1  }
0x8a: {  	s1 =	srdreg.scid  }
0x8b: {  	s0 =	sand.u32 $0x1, s1  }
0x8c: {  	s17 =	sshll.u32 s0, $0xA;
	s2 =	sadd.s32 s3, s2  }
0x8d: {  	s2 =	sadd.s32 s2, s17  }
0x8e: {  	[smem:$0x3FC4] =	sst s2  }
0x8f: {  	_ = 	snop  }
0x90: {  	s2 =	sld [smem:$0x3FC8];
	(tm) =	ssettm $0x1  }
0x91: {  	s18 =	sld [smem:$0x3FFB];
	_ =	sdelay $0x3  }
0x92: {  	_ =	strace s18  }
0x93: {  	s3 =	sld [smem:$0x3FFC];
	_ =	sdelay $0x3  }
0x94: {  	_ =	strace s3  }
0x95: {  	s3 =	sld [smem:$0x3FFD];
	_ =	sdelay $0x3  }
0x96: {  	_ =	strace s3  }
0x97: {  	_ =	strace $0x8FFFFFFF  }
0x98: {  	s19 =	sld [smem:$0x3FDB];
	_ =	sdelay $0x1  }
0x99: {  	s4 =	simm.s32 $_scs_section_size  }
0x9a: {  	s5 =	simm.s32 $_size__tile_overlayer_lowered;
	s6 =	simm.s32 $_tile_overlayer_lowered  }
0x9b: {  	s22 =	simm.s32 $0x1BFF;
	s21 =	sshll.u32 s6, $0x1;
	s3 =	sadd.s32 s4, s19  }
0x9c: {  	s7 =	simm.s32 $0x0;
	s20 =	sshll.u32 s5, $0x1;
	s5 =	sadd.s32 s21, s3  }
0x9d: {  	[timem:s7], [sflag:s22] =	dma.local [hbm:s5], s20  }
0x9e: {  	_ =	swait.ge [sflag:s22], s20  }
0x9f: {  	s4 =	ssub.s32 $0x0, s20;
	[sflag:s22] =	ssyncset.done $0x0  }
0xa0: {  	[sflag:s22] =	ssyncadd.s32 s4;
	_ =	sdelay $0x1  }
0xa1: {  	s23 =	simm.s32 $0x1B8B  }
0xa2: {  	_ =	swait.ge [sflag:s23], $0x1  }
0xa3: {  	[sflag:s23] =	ssyncset.done $0x0  }
0xa4: {  	s25 =	simm.s32 $0x1B8E;
	s24 =	sld [smem:$0x3FFE];
	[sflag:s23] =	ssyncadd.s32 $0xFFFFFFFF  }
0xa5: {  	s26 =	simm.s32 $execute0_lowered;
	[smem:$0x3FD2] =	sst s25  }
0xa6: {  	s5 =	sshll.u32 s26, $0x1;
	_ =	strace $0x80000046;
	[dreg:$0x1] =	wrdreg $0xFFFFFFFF  }
0xa7: {  	s28 =	simm.s32 $_size_execute0_lowered;
	s3 =	sadd.s32 s3, s5;
	[dreg:$0x0] =	wrdreg $0x0  }
0xa8: {  	s5 =	sshll.u32 s28, $0x1;
	[dreg:$0x2] =	wrdreg s3  }
0xa9: {  	[dreg:$0x3] =	wrdreg s5  }
0xaa: {  	[dreg:$0x4] =	wrdreg $0xC0  }
0xab: {  	_ =	task [dreg:s7], $0x5FFFF  }
0xac: {  	[dreg:$0x1] =	wrdreg $0xFFFFFFFF  }
0xad: {  	[dreg:$0x0] =	wrdreg $0x60  }
0xae: {  	[dreg:$0x2] =	wrdreg s2  }
0xaf: {  	[dreg:$0x3] =	wrdreg s24  }
0xb0: {  	[dreg:$0x4] =	wrdreg $0x9  }
0xb1: {  	_ =	task.clear_ibuf [dreg:s7], $0x5FFFF;
	_ =	strace $0x90000046  }
0xb2: {  	s29 =	simm.s32 $0x9;
	_ =	strace $0x80000048  }
0xb3: {  	_ =	swait.ge [sflag:s29], $0x1  }
0xb4: {  	[sflag:s29] =	ssyncadd.s32 $0xFFFFFFFF  }
0xb5: {  	_ =	strace $0x90000048  }
0xb6: {  	_ =	sfence  }
0xb7: {  	s30 =	sld [smem:$0x0];
	_ =	sdelay $0x2  }
0xb8: {  	s31 =	sshll.u32 s1, $0xD;
	s1 =	sshrl.u32 s1, $0x2  }
0xb9: {  	s3 =	sand.u32 $0x4000, s31;
	s1 =	sadd.s32 s1, s30  }
0xba: {  	s0 =	sor.u32 s3, s0;
	s1 =	sshll.u32 s1, $0x11  }
0xbb: {  	s0 =	sor.u32 s1, s0  }
0xbc: {  	s0 =	sadd.s32 $0x8F2B, s0  }
0xbd: {  	[sflag:s0] =	ssyncadd.remote.s32 $0x1  }
0xbe: {  	_ =	sfence.sel $0xFFFF  }
0xbf: {  	[dreg:$0x0] =	wrdreg $0xFFFFFFFF;
	(pc) =	sbr.abs _section_cstart, $3  }
0xc0: {  	[dreg:$0x1] =	wrdreg $0xFFFFFFFF  }
0xc1: {  	_ =	task.clear_ibuf [dreg:s7], $0x2FFFF;
	_ =	strace $0x9FFFFFFF  }
0xc2: {  	(tm) =	ssettm $0x7FFFFFFF  }
0xc3: {  	_ =	shalt  }
tec
execute0_lowered:
.L_overlay_start_1:
0x0: {  	(tag) =	ssettag $0x1  }
0x1: {  	s18 =	rddreg [dreg:$0x0]  }
0x2: {  	s1 =	rddreg [dreg:$0x1];
	s3 =	simm.s32 $0x0  }
0x3: {  	[smem:$0x7FF] =	sst s3;
	s12 =	sadd.s32 $0x100, s18  }
0x4: {  	s13 =	sadd.s32 $0x200, s18;
	_ =	strace $0x80000047;
	[dreg:$0x8] =	wrdreg s12  }
0x5: {  	s14 =	sadd.s32 $0x300, s18;
	[dreg:$0x9] =	wrdreg s13  }
0x6: {  	s15 =	sadd.s32 $0x400, s18;
	[dreg:$0xa] =	wrdreg s14  }
0x7: {  	s16 =	sadd.s32 $0x500, s18;
	[dreg:$0xb] =	wrdreg s15  }
0x8: {  	s0 =	srdreg.scid;
	s17 =	sadd.s32 $0x600, s18;
	[dreg:$0xc] =	wrdreg s16  }
0x9: {  	s2 =	stileid.u32;
	s19 =	sadd.s32 $0x700, s18;
	[dreg:$0xd] =	wrdreg s17  }
0xa: {  	s29 =	simm.s32 $0x880;
	s20 =	sadd.s32 $0x800, s18;
	[dreg:$0xe] =	wrdreg s19  }
0xb: {  	s30 =	simm.s32 $0x1080;
	s21 =	sadd.s32 $0x900, s18;
	[dreg:$0xf] =	wrdreg s20  }
0xc: {  	s31 =	simm.s32 $0x1880;
	s22 =	sadd.s32 $0xA00, s18;
	[dreg:$0x10] =	wrdreg s21  }
0xd: {  	s0 =	sand.u32 $0x1, s0;
	s23 =	sadd.s32 $0xB00, s18;
	[dreg:$0x11] =	wrdreg s22  }
0xe: {  	s2 =	sshll.u32 s2, $0x6;
	s25 =	sadd.s32 $0xC00, s18;
	[dreg:$0x12] =	wrdreg s23  }
0xf: {  	s4 =	sshll.u32 s0, $0x5;
	s0 =	ssub.s32 $0x2, s0;
	[dreg:$0x13] =	wrdreg s25  }
0x10: {  	s16 =	sadd.s32 $0xD00, s18;
	s17 =	sadd.s32 $0xE00, s18;
	s2 =	sor.u32 s4, s2  }
0x11: {  	s18 =	sadd.s32 $0xF00, s18;
	s20 =	simm.s32 $0x2;
	s4 =	sshrl.u32 s2, $0x3  }
0x12: {  	s21 =	simm.s32 $0x80;
	s2 =	sshll.u32 s2, $0x9;
	s4 =	sadd.s32 s4, s1  }
0x13: {  	s25 =	simm.s32 $0x1;
	s1 =	sadd.s32 s2, s1;
	s4 =	sadd.s32 $0x1600, s4  }
0x14: {  	s22 =	simm.s32 $0x3880;
	s24 =	sadd.s32 $0x1800, s1;
	[dreg:$0x3] =	wrdreg s4  }
0x15: {  	s23 =	simm.s32 $0x4080;
	s26 =	sadd.s32 $0x2800, s1;
	[dreg:$0x4] =	wrdreg s24  }
0x16: {  	s5 =	sshrl.u32 s0, $0x1;
	s28 =	sadd.s32 $0x3800, s1;
	[dreg:$0x5] =	wrdreg s26  }
0x17: {  	v0 =	vlaneseq.u32;
	s0 =	ssub.s32 s0, s5;
	s1 =	sadd.s32 $0x4800, s1;
	[dreg:$0x6] =	wrdreg s28  }
0x18: {  	v1 =	vshrl.u32 v0, $0x3;
	s19 =	smax.u32 s0, $0x1;
	s2 =	simm.s32 $0x6080;
	[dreg:$0x7] =	wrdreg s1  }
0x19: {  	vm0 =	vmmov $0xffff;
	v0 =	vand.u32 $0x7, v0;
	v1 =	vmul.u32 $0x8, v1;
	s24 =	simm.s32 $0x4880;
	s4 =	simm.s32 $0x5080;
	s1 =	simm.s32 $0x5880  }
.LBB2_1:
0x1a: {  	s26 =	rddreg [dreg:$0x3]  }
0x1b: {  	[tilespmem:s3], [sflag:$0x2] =	stream.linear.gather [hbm4b:s26+s3], $0x20, $0x38;
	[tilespmem:$0x8080] =	vst v63  }
0x1c: {  	_ =	swait.ge [sflag:s20], $0x20  }
0x1d: {  	[sflag:s20] =	ssyncset.done $0x0  }
0x1e: {  	[sflag:s20] =	ssyncadd.s32 $0xFFFFFFE0  }
0x1f: {  	v2 =	vld.msk [tilespmem:$0x0], $0xff;
	_ =	sdelay $0x4  }
0x20: {  	v3 =	vshll.u32 v2, $0x5  }
0x21: {  	v2 =	vand.u32 $0x7, v2;
	v3 =	vand.u32 $0xFFFFFF00, v3  }
0x22: {  	v2 =	vor.u32 v2, v3  }
0x23: {  	v2 =	vperm.xlane v2, v0;
	_ =	sdelay $0x1  }
0x24: {  	v2 =	vadd.s32 v1, v2;
	_ =	sdelay $0x3  }
0x25: {  	s28 =	rddreg [dreg:$0x0]  }
0x26: {  	[tilespmem:s21], [sflag:$0x1] =	stream.indirect_vreg.gather [hbm4b:s28+s3], $0x80, v2, vm0, $0xb8;
	[tilespmem:$0x8080] =	vst v63  }
0x27: {  	s5 =	rddreg [dreg:$0x8]  }
0x28: {  	[tilespmem:s29], [sflag:$0x1] =	stream.indirect_vreg.gather [hbm4b:s5+s3], $0x80, v2, vm0, $0xb8;
	[tilespmem:$0x8080] =	vst v63  }
0x29: {  	s6 =	rddreg [dreg:$0x9]  }
0x2a: {  	[tilespmem:s30], [sflag:$0x1] =	stream.indirect_vreg.gather [hbm4b:s6+s3], $0x80, v2, vm0, $0xb8;
	[tilespmem:$0x8080] =	vst v63  }
0x2b: {  	s7 =	rddreg [dreg:$0xa]  }
0x2c: {  	[tilespmem:s31], [sflag:$0x1] =	stream.indirect_vreg.gather [hbm4b:s7+s3], $0x80, v2, vm0, $0xb8;
	[tilespmem:$0x8080] =	vst v63  }
0x2d: {  	s0 =	simm.s32 $0x2080;
	s8 =	rddreg [dreg:$0xb]  }
0x2e: {  	[tilespmem:s0], [sflag:$0x1] =	stream.indirect_vreg.gather [hbm4b:s8+s3], $0x80, v2, vm0, $0xb8;
	[tilespmem:$0x8080] =	vst v63  }
0x2f: {  	s15 =	simm.s32 $0x2880;
	s9 =	rddreg [dreg:$0xc]  }
0x30: {  	[tilespmem:s15], [sflag:$0x1] =	stream.indirect_vreg.gather [hbm4b:s9+s3], $0x80, v2, vm0, $0xb8;
	[tilespmem:$0x8080] =	vst v63  }
0x31: {  	s26 =	simm.s32 $0x3080;
	s10 =	rddreg [dreg:$0xd]  }
0x32: {  	[tilespmem:s26], [sflag:$0x1] =	stream.indirect_vreg.gather [hbm4b:s10+s3], $0x80, v2, vm0, $0xb8;
	[tilespmem:$0x8080] =	vst v63  }
0x33: {  	s11 =	rddreg [dreg:$0xe]  }
0x34: {  	[tilespmem:s22], [sflag:$0x1] =	stream.indirect_vreg.gather [hbm4b:s11+s3], $0x80, v2, vm0, $0xb8;
	[tilespmem:$0x8080] =	vst v63  }
0x35: {  	s12 =	rddreg [dreg:$0xf]  }
0x36: {  	[tilespmem:s23], [sflag:$0x1] =	stream.indirect_vreg.gather [hbm4b:s12+s3], $0x80, v2, vm0, $0xb8;
	[tilespmem:$0x8080] =	vst v63  }
0x37: {  	s13 =	rddreg [dreg:$0x10]  }
0x38: {  	[tilespmem:s24], [sflag:$0x1] =	stream.indirect_vreg.gather [hbm4b:s13+s3], $0x80, v2, vm0, $0xb8;
	[tilespmem:$0x8080] =	vst v63  }
0x39: {  	s14 =	rddreg [dreg:$0x11]  }
0x3a: {  	[tilespmem:s4], [sflag:$0x1] =	stream.indirect_vreg.gather [hbm4b:s14+s3], $0x80, v2, vm0, $0xb8;
	[tilespmem:$0x8080] =	vst v63  }
0x3b: {  	s15 =	rddreg [dreg:$0x12]  }
0x3c: {  	[tilespmem:s1], [sflag:$0x1] =	stream.indirect_vreg.gather [hbm4b:s15+s3], $0x80, v2, vm0, $0xb8;
	[tilespmem:$0x8080] =	vst v63  }
0x3d: {  	s0 =	rddreg [dreg:$0x13]  }
0x3e: {  	[tilespmem:s2], [sflag:$0x1] =	stream.indirect_vreg.gather [hbm4b:s0+s3], $0x80, v2, vm0, $0xb8;
	[tilespmem:$0x8080] =	vst v63  }
0x3f: {  	s26 =	simm.s32 $0x6880  }
0x40: {  	[tilespmem:s26], [sflag:$0x1] =	stream.indirect_vreg.gather [hbm4b:s16+s3], $0x80, v2, vm0, $0xb8;
	[tilespmem:$0x8080] =	vst v63  }
0x41: {  	s26 =	simm.s32 $0x7080  }
0x42: {  	[tilespmem:s26], [sflag:$0x1] =	stream.indirect_vreg.gather [hbm4b:s17+s3], $0x80, v2, vm0, $0xb8;
	[tilespmem:$0x8080] =	vst v63  }
0x43: {  	s26 =	simm.s32 $0x7880  }
0x44: {  	[tilespmem:s26], [sflag:$0x1] =	stream.indirect_vreg.gather [hbm4b:s18+s3], $0x80, v2, vm0, $0xb8;
	[tilespmem:$0x8080] =	vst v63  }
0x45: {  	_ =	swait.ge [sflag:s25], $0x8000  }
0x46: {  	[sflag:s25] =	ssyncset.done $0x0  }
0x47: {  	s26 =	rddreg [dreg:$0x4];
	[sflag:s25] =	ssyncadd.s32 $0xFFFF8000  }
0x48: {  	[hbm4b:s26+s3] =	stream.linear.scatter [tilespmem:s21], [sflag:$0x2], $0x8000, $0x38;
	[tilespmem:$0x8080] =	vst v63  }
0x49: {  	_ =	swait.ge [sflag:s20], $0x8000  }
0x4a: {  	[sflag:s20] =	ssyncset.done $0x0  }
0x4b: {  	[sflag:s20] =	ssyncadd.s32 $0xFFFF8000  }
0x4c: {  	v2 =	vld.msk [tilespmem:$0x8], $0xff;
	_ =	sdelay $0x4  }
0x4d: {  	v3 =	vshll.u32 v2, $0x5  }
0x4e: {  	v2 =	vand.u32 $0x7, v2;
	v3 =	vand.u32 $0xFFFFFF00, v3  }
0x4f: {  	v2 =	vor.u32 v2, v3  }
0x50: {  	v2 =	vperm.xlane v2, v0;
	_ =	sdelay $0x1  }
0x51: {  	v2 =	vadd.s32 v1, v2;
	_ =	sdelay $0x4  }
0x52: {  	[tilespmem:s21], [sflag:$0x1] =	stream.indirect_vreg.gather [hbm4b:s28+s3], $0x80, v2, vm0, $0xb8;
	[tilespmem:$0x8080] =	vst v63  }
0x53: {  	_ = 	snop  }
0x54: {  	[tilespmem:s29], [sflag:$0x1] =	stream.indirect_vreg.gather [hbm4b:s5+s3], $0x80, v2, vm0, $0xb8;
	[tilespmem:$0x8080] =	vst v63  }
0x55: {  	_ = 	snop  }
0x56: {  	[tilespmem:s30], [sflag:$0x1] =	stream.indirect_vreg.gather [hbm4b:s6+s3], $0x80, v2, vm0, $0xb8;
	[tilespmem:$0x8080] =	vst v63  }
0x57: {  	_ = 	snop  }
0x58: {  	[tilespmem:s31], [sflag:$0x1] =	stream.indirect_vreg.gather [hbm4b:s7+s3], $0x80, v2, vm0, $0xb8;
	[tilespmem:$0x8080] =	vst v63  }
0x59: {  	s26 =	simm.s32 $0x2080  }
0x5a: {  	[tilespmem:s26], [sflag:$0x1] =	stream.indirect_vreg.gather [hbm4b:s8+s3], $0x80, v2, vm0, $0xb8;
	[tilespmem:$0x8080] =	vst v63  }
0x5b: {  	s26 =	simm.s32 $0x2880  }
0x5c: {  	[tilespmem:s26], [sflag:$0x1] =	stream.indirect_vreg.gather [hbm4b:s9+s3], $0x80, v2, vm0, $0xb8;
	[tilespmem:$0x8080] =	vst v63  }
0x5d: {  	s26 =	simm.s32 $0x3080  }
0x5e: {  	[tilespmem:s26], [sflag:$0x1] =	stream.indirect_vreg.gather [hbm4b:s10+s3], $0x80, v2, vm0, $0xb8;
	[tilespmem:$0x8080] =	vst v63  }
0x5f: {  	_ = 	snop  }
0x60: {  	[tilespmem:s22], [sflag:$0x1] =	stream.indirect_vreg.gather [hbm4b:s11+s3], $0x80, v2, vm0, $0xb8;
	[tilespmem:$0x8080] =	vst v63  }
0x61: {  	_ = 	snop  }
0x62: {  	[tilespmem:s23], [sflag:$0x1] =	stream.indirect_vreg.gather [hbm4b:s12+s3], $0x80, v2, vm0, $0xb8;
	[tilespmem:$0x8080] =	vst v63  }
0x63: {  	_ = 	snop  }
0x64: {  	[tilespmem:s24], [sflag:$0x1] =	stream.indirect_vreg.gather [hbm4b:s13+s3], $0x80, v2, vm0, $0xb8;
	[tilespmem:$0x8080] =	vst v63  }
0x65: {  	_ = 	snop  }
0x66: {  	[tilespmem:s4], [sflag:$0x1] =	stream.indirect_vreg.gather [hbm4b:s14+s3], $0x80, v2, vm0, $0xb8;
	[tilespmem:$0x8080] =	vst v63  }
0x67: {  	_ = 	snop  }
0x68: {  	[tilespmem:s1], [sflag:$0x1] =	stream.indirect_vreg.gather [hbm4b:s15+s3], $0x80, v2, vm0, $0xb8;
	[tilespmem:$0x8080] =	vst v63  }
0x69: {  	_ = 	snop  }
0x6a: {  	[tilespmem:s2], [sflag:$0x1] =	stream.indirect_vreg.gather [hbm4b:s0+s3], $0x80, v2, vm0, $0xb8;
	[tilespmem:$0x8080] =	vst v63  }
0x6b: {  	s26 =	simm.s32 $0x6880  }
0x6c: {  	[tilespmem:s26], [sflag:$0x1] =	stream.indirect_vreg.gather [hbm4b:s16+s3], $0x80, v2, vm0, $0xb8;
	[tilespmem:$0x8080] =	vst v63  }
0x6d: {  	s26 =	simm.s32 $0x7080  }
0x6e: {  	[tilespmem:s26], [sflag:$0x1] =	stream.indirect_vreg.gather [hbm4b:s17+s3], $0x80, v2, vm0, $0xb8;
	[tilespmem:$0x8080] =	vst v63  }
0x6f: {  	s26 =	simm.s32 $0x7880  }
0x70: {  	[tilespmem:s26], [sflag:$0x1] =	stream.indirect_vreg.gather [hbm4b:s18+s3], $0x80, v2, vm0, $0xb8;
	[tilespmem:$0x8080] =	vst v63  }
0x71: {  	_ =	swait.ge [sflag:s25], $0x8000  }
0x72: {  	[sflag:s25] =	ssyncset.done $0x0  }
0x73: {  	s26 =	rddreg [dreg:$0x5];
	[sflag:s25] =	ssyncadd.s32 $0xFFFF8000  }
0x74: {  	[hbm4b:s26+s3] =	stream.linear.scatter [tilespmem:s21], [sflag:$0x2], $0x8000, $0x38;
	[tilespmem:$0x8080] =	vst v63  }
0x75: {  	_ =	swait.ge [sflag:s20], $0x8000  }
0x76: {  	[sflag:s20] =	ssyncset.done $0x0  }
0x77: {  	[sflag:s20] =	ssyncadd.s32 $0xFFFF8000  }
0x78: {  	v2 =	vld.msk [tilespmem:$0x10], $0xff;
	_ =	sdelay $0x4  }
0x79: {  	v3 =	vshll.u32 v2, $0x5  }
0x7a: {  	v2 =	vand.u32 $0x7, v2;
	v3 =	vand.u32 $0xFFFFFF00, v3  }
0x7b: {  	v2 =	vor.u32 v2, v3  }
0x7c: {  	v2 =	vperm.xlane v2, v0;
	_ =	sdelay $0x1  }
0x7d: {  	v2 =	vadd.s32 v1, v2;
	_ =	sdelay $0x4  }
0x7e: {  	[tilespmem:s21], [sflag:$0x1] =	stream.indirect_vreg.gather [hbm4b:s28+s3], $0x80, v2, vm0, $0xb8;
	[tilespmem:$0x8080] =	vst v63  }
0x7f: {  	_ = 	snop  }
0x80: {  	[tilespmem:s29], [sflag:$0x1] =	stream.indirect_vreg.gather [hbm4b:s5+s3], $0x80, v2, vm0, $0xb8;
	[tilespmem:$0x8080] =	vst v63  }
0x81: {  	_ = 	snop  }
0x82: {  	[tilespmem:s30], [sflag:$0x1] =	stream.indirect_vreg.gather [hbm4b:s6+s3], $0x80, v2, vm0, $0xb8;
	[tilespmem:$0x8080] =	vst v63  }
0x83: {  	_ = 	snop  }
0x84: {  	[tilespmem:s31], [sflag:$0x1] =	stream.indirect_vreg.gather [hbm4b:s7+s3], $0x80, v2, vm0, $0xb8;
	[tilespmem:$0x8080] =	vst v63  }
0x85: {  	s26 =	simm.s32 $0x2080  }
0x86: {  	[tilespmem:s26], [sflag:$0x1] =	stream.indirect_vreg.gather [hbm4b:s8+s3], $0x80, v2, vm0, $0xb8;
	[tilespmem:$0x8080] =	vst v63  }
0x87: {  	s26 =	simm.s32 $0x2880  }
0x88: {  	[tilespmem:s26], [sflag:$0x1] =	stream.indirect_vreg.gather [hbm4b:s9+s3], $0x80, v2, vm0, $0xb8;
	[tilespmem:$0x8080] =	vst v63  }
0x89: {  	s26 =	simm.s32 $0x3080  }
0x8a: {  	[tilespmem:s26], [sflag:$0x1] =	stream.indirect_vreg.gather [hbm4b:s10+s3], $0x80, v2, vm0, $0xb8;
	[tilespmem:$0x8080] =	vst v63  }
0x8b: {  	_ = 	snop  }
0x8c: {  	[tilespmem:s22], [sflag:$0x1] =	stream.indirect_vreg.gather [hbm4b:s11+s3], $0x80, v2, vm0, $0xb8;
	[tilespmem:$0x8080] =	vst v63  }
0x8d: {  	_ = 	snop  }
0x8e: {  	[tilespmem:s23], [sflag:$0x1] =	stream.indirect_vreg.gather [hbm4b:s12+s3], $0x80, v2, vm0, $0xb8;
	[tilespmem:$0x8080] =	vst v63  }
0x8f: {  	_ = 	snop  }
0x90: {  	[tilespmem:s24], [sflag:$0x1] =	stream.indirect_vreg.gather [hbm4b:s13+s3], $0x80, v2, vm0, $0xb8;
	[tilespmem:$0x8080] =	vst v63  }
0x91: {  	_ = 	snop  }
0x92: {  	[tilespmem:s4], [sflag:$0x1] =	stream.indirect_vreg.gather [hbm4b:s14+s3], $0x80, v2, vm0, $0xb8;
	[tilespmem:$0x8080] =	vst v63  }
0x93: {  	_ = 	snop  }
0x94: {  	[tilespmem:s1], [sflag:$0x1] =	stream.indirect_vreg.gather [hbm4b:s15+s3], $0x80, v2, vm0, $0xb8;
	[tilespmem:$0x8080] =	vst v63  }
0x95: {  	_ = 	snop  }
0x96: {  	[tilespmem:s2], [sflag:$0x1] =	stream.indirect_vreg.gather [hbm4b:s0+s3], $0x80, v2, vm0, $0xb8;
	[tilespmem:$0x8080] =	vst v63  }
0x97: {  	s26 =	simm.s32 $0x6880  }
0x98: {  	[tilespmem:s26], [sflag:$0x1] =	stream.indirect_vreg.gather [hbm4b:s16+s3], $0x80, v2, vm0, $0xb8;
	[tilespmem:$0x8080] =	vst v63  }
0x99: {  	s26 =	simm.s32 $0x7080  }
0x9a: {  	[tilespmem:s26], [sflag:$0x1] =	stream.indirect_vreg.gather [hbm4b:s17+s3], $0x80, v2, vm0, $0xb8;
	[tilespmem:$0x8080] =	vst v63  }
0x9b: {  	s26 =	simm.s32 $0x7880  }
0x9c: {  	[tilespmem:s26], [sflag:$0x1] =	stream.indirect_vreg.gather [hbm4b:s18+s3], $0x80, v2, vm0, $0xb8;
	[tilespmem:$0x8080] =	vst v63  }
0x9d: {  	_ =	swait.ge [sflag:s25], $0x8000  }
0x9e: {  	[sflag:s25] =	ssyncset.done $0x0  }
0x9f: {  	s26 =	rddreg [dreg:$0x6];
	[sflag:s25] =	ssyncadd.s32 $0xFFFF8000  }
0xa0: {  	[hbm4b:s26+s3] =	stream.linear.scatter [tilespmem:s21], [sflag:$0x2], $0x8000, $0x38;
	[tilespmem:$0x8080] =	vst v63  }
0xa1: {  	_ =	swait.ge [sflag:s20], $0x8000  }
0xa2: {  	[sflag:s20] =	ssyncset.done $0x0  }
0xa3: {  	[sflag:s20] =	ssyncadd.s32 $0xFFFF8000  }
0xa4: {  	v2 =	vld.msk [tilespmem:$0x18], $0xff;
	_ =	sdelay $0x4  }
0xa5: {  	v3 =	vshll.u32 v2, $0x5  }
0xa6: {  	v2 =	vand.u32 $0x7, v2;
	v3 =	vand.u32 $0xFFFFFF00, v3  }
0xa7: {  	v2 =	vor.u32 v2, v3  }
0xa8: {  	v2 =	vperm.xlane v2, v0;
	_ =	sdelay $0x1  }
0xa9: {  	v2 =	vadd.s32 v1, v2;
	_ =	sdelay $0x4  }
0xaa: {  	[tilespmem:s21], [sflag:$0x1] =	stream.indirect_vreg.gather [hbm4b:s28+s3], $0x80, v2, vm0, $0xb8;
	[tilespmem:$0x8080] =	vst v63  }
0xab: {  	_ = 	snop  }
0xac: {  	[tilespmem:s29], [sflag:$0x1] =	stream.indirect_vreg.gather [hbm4b:s5+s3], $0x80, v2, vm0, $0xb8;
	[tilespmem:$0x8080] =	vst v63  }
0xad: {  	_ = 	snop  }
0xae: {  	[tilespmem:s30], [sflag:$0x1] =	stream.indirect_vreg.gather [hbm4b:s6+s3], $0x80, v2, vm0, $0xb8;
	[tilespmem:$0x8080] =	vst v63  }
0xaf: {  	_ = 	snop  }
0xb0: {  	[tilespmem:s31], [sflag:$0x1] =	stream.indirect_vreg.gather [hbm4b:s7+s3], $0x80, v2, vm0, $0xb8;
	[tilespmem:$0x8080] =	vst v63  }
0xb1: {  	s7 =	simm.s32 $0x2080  }
0xb2: {  	[tilespmem:s7], [sflag:$0x1] =	stream.indirect_vreg.gather [hbm4b:s8+s3], $0x80, v2, vm0, $0xb8;
	[tilespmem:$0x8080] =	vst v63  }
0xb3: {  	s8 =	simm.s32 $0x2880  }
0xb4: {  	[tilespmem:s8], [sflag:$0x1] =	stream.indirect_vreg.gather [hbm4b:s9+s3], $0x80, v2, vm0, $0xb8;
	[tilespmem:$0x8080] =	vst v63  }
0xb5: {  	s9 =	simm.s32 $0x3080  }
0xb6: {  	[tilespmem:s9], [sflag:$0x1] =	stream.indirect_vreg.gather [hbm4b:s10+s3], $0x80, v2, vm0, $0xb8;
	[tilespmem:$0x8080] =	vst v63  }
0xb7: {  	_ = 	snop  }
0xb8: {  	[tilespmem:s22], [sflag:$0x1] =	stream.indirect_vreg.gather [hbm4b:s11+s3], $0x80, v2, vm0, $0xb8;
	[tilespmem:$0x8080] =	vst v63  }
0xb9: {  	_ = 	snop  }
0xba: {  	[tilespmem:s23], [sflag:$0x1] =	stream.indirect_vreg.gather [hbm4b:s12+s3], $0x80, v2, vm0, $0xb8;
	[tilespmem:$0x8080] =	vst v63  }
0xbb: {  	_ = 	snop  }
0xbc: {  	[tilespmem:s24], [sflag:$0x1] =	stream.indirect_vreg.gather [hbm4b:s13+s3], $0x80, v2, vm0, $0xb8;
	[tilespmem:$0x8080] =	vst v63  }
0xbd: {  	_ = 	snop  }
0xbe: {  	[tilespmem:s4], [sflag:$0x1] =	stream.indirect_vreg.gather [hbm4b:s14+s3], $0x80, v2, vm0, $0xb8;
	[tilespmem:$0x8080] =	vst v63  }
0xbf: {  	_ = 	snop  }
0xc0: {  	[tilespmem:s1], [sflag:$0x1] =	stream.indirect_vreg.gather [hbm4b:s15+s3], $0x80, v2, vm0, $0xb8;
	[tilespmem:$0x8080] =	vst v63  }
0xc1: {  	_ = 	snop  }
0xc2: {  	[tilespmem:s2], [sflag:$0x1] =	stream.indirect_vreg.gather [hbm4b:s0+s3], $0x80, v2, vm0, $0xb8;
	[tilespmem:$0x8080] =	vst v63  }
0xc3: {  	s14 =	simm.s32 $0x6880  }
0xc4: {  	[tilespmem:s14], [sflag:$0x1] =	stream.indirect_vreg.gather [hbm4b:s16+s3], $0x80, v2, vm0, $0xb8;
	[tilespmem:$0x8080] =	vst v63  }
0xc5: {  	s15 =	simm.s32 $0x7080  }
0xc6: {  	[tilespmem:s15], [sflag:$0x1] =	stream.indirect_vreg.gather [hbm4b:s17+s3], $0x80, v2, vm0, $0xb8;
	[tilespmem:$0x8080] =	vst v63  }
0xc7: {  	s26 =	simm.s32 $0x7880  }
0xc8: {  	[tilespmem:s26], [sflag:$0x1] =	stream.indirect_vreg.gather [hbm4b:s18+s3], $0x80, v2, vm0, $0xb8;
	[tilespmem:$0x8080] =	vst v63  }
0xc9: {  	_ =	swait.ge [sflag:s25], $0x8000  }
0xca: {  	p0 =	sne.s32 s19, $0x1;
	[sflag:s25] =	ssyncset.done $0x0  }
.Ltmp0:
0xcb: {  	s28 =	rddreg [dreg:$0x7];
	[sflag:s25] =	ssyncadd.s32 $0xFFFF8000;
	(pc) =	sbr.rel @p0 .LBB2_1-.Ltmp0, $4  }
0xcc: {  	[hbm4b:s28+s3] =	stream.linear.scatter [tilespmem:s21], [sflag:$0x2], $0x8000, $0x38;
	[tilespmem:$0x8080] =	vst v63  }
0xcd: {  	_ =	swait.ge [sflag:s20], $0x8000  }
0xce: {  	[sflag:s20] =	ssyncset.done $0x0  }
0xcf: {  	s19 =	sadd.s32 $0xFFFFFFFF, s19;
	[sflag:s20] =	ssyncadd.s32 $0xFFFF8000  }
0xd0: {  	_ =	sfence.sel $0x180000  }
0xd1: {  	[bflag:$0x0] =	sbarrier.arrive $0xFFFF  }
0xd2: {  	_ =	strace $0x90000047  }
0xd3: {  	s0 =	stileid.u32;
	[bflag:$0x2] =	sbarrier.arrive $0xFFFF  }
0xd4: {  	p0 =	sne.s32 s0, $0x0;
	s0 =	rddreg [dreg:$0x2]  }
0xd5: {  	s0 =	sadd.s32 @!p0 $0x100000, s0  }
0xd6: {  	[sflag:s0] =	ssyncadd.tile.s32 @!p0 $0x1;
	_ =	shalt  }
.Lfunc_end2:
_tile_overlayer_lowered:
.L_overlay_start_2:
0xd7: {  	(tag) =	ssettag $0x2  }
0xd8: {  	s0 =	rddreg [dreg:$0x0];
	s2 =	stileid.u32  }
0xd9: {  	s1 =	rddreg [dreg:$0x1];
	p0 =	sne.s32 s2, $0x0  }
0xda: {  	s3 =	rddreg [dreg:$0x2];
	[bflag:$0x3] =	sbarrier.arrive $0xFFFF;
	s2 =	simm.s32 @!p0 $0x1C02  }
0xdb: {  	[timem:s3], [sflag:s2] =	dma.local @!p0 [hbm:s0], s1  }
0xdc: {  	s0 =	simm.s32 @!p0 $0x2  }
0xdd: {  	_ =	swait.ge @!p0 [sflag:s0], s1  }
0xde: {  	s1 =	ssub.s32 @!p0 $0x0, s1;
	[sflag:s0] =	ssyncset.done @!p0 $0x0  }
0xdf: {  	[sflag:s0] =	ssyncadd.s32 @!p0 s1  }
0xe0: {  	[bflag:$0x3] =	sbarrier.arrive $0xFFFF  }
0xe1: {  	_ =	shalt  }

// kernel: kernel.14.cloned.1.call-start
scs
__scs_entry_jumppad:
0x0: {  	(pc) =	sbr.rel $0x88, $3  }
0x1: {  	(tag) =	ssettag $0x0;
	lr =	simm.s32 $0x1  }
0x2: {  	[smem:$0x3F9D] =	sst lr;
	_ =	strace $0xD0000000  }
0x3: {  	_ = 	snop  }
0x4: {  	_ = 	snop  }
0x5: {  	_ = 	snop  }
0x6: {  	_ = 	snop  }
0x7: {  	_ = 	snop  }
__scs_overlays_trampoline_lowered:
0x8: {  	[smem:$0x3FAC] =	sst s0  }
0x9: {  	[smem:$0x3FAD] =	sst s1  }
0xa: {  	[smem:$0x3FAE] =	sst s2  }
0xb: {  	[smem:$0x3FAF] =	sst s3  }
0xc: {  	[smem:$0x3FB0] =	sst s4  }
0xd: {  	[smem:$0x3FB1] =	sst s5  }
0xe: {  	[smem:$0x3FB2] =	sst s6  }
0xf: {  	[smem:$0x3FB3] =	sst s7  }
0x10: {  	[smem:$0x3FB4] =	sst s8  }
0x11: {  	[smem:$0x3FB5] =	sst s9;
	s0 =	simm.s32 @!p0 $0x0  }
0x12: {  	s1 =	sld [smem:$0x3F9B];
	s0 =	simm.s32 @p0 $0x1  }
0x13: {  	[smem:$0x3FB6] =	sst s0;
	s0 =	simm.s32 @!p1 $0x0  }
0x14: {  	s2 =	sld [smem:$0x3F9A];
	s0 =	simm.s32 @p1 $0x1  }
0x15: {  	[smem:$0x3FB7] =	sst s0;
	s0 =	simm.s32 @!p2 $0x0  }
0x16: {  	s3 =	sld [smem:$0x3FDB];
	s0 =	simm.s32 @p2 $0x1  }
0x17: {  	s4 =	simm.s32 $0x1BF5;
	[smem:$0x3FB9] =	sst s0  }
0x18: {  	s0 =	sld [smem:$0x3F9C];
	_ =	swait.ge [sflag:s4], $0x0  }
0x19: {  	s7 =	sld [smem:$0x3F9D]  }
0x1a: {  	s8 =	sadd.s32 $0xFFFFE003, lr  }
0x1b: {  	s9 =	sadd.s32 $0xFFFFFEF7, lr;
	s5 =	simm.s32 $0xFFFFFFFF;
	p2 =	slt.u32 s8, $0xFFFFF086  }
0x1c: {  	p1 =	slt.u32 s9, $0xF7A;
	s5 =	simm.s32 @!p2 $0x0  }
0x1d: {  	s5 =	simm.s32 @p1 $0x1;
	p0 =	seq.s32 s7, s2  }
0x1e: {  	s7 =	smul.u32 @!p0 $0xF7A, s2;
	p2 =	seq.s32 @!p0 s5, $0x0  }
0x1f: {  	s9 =	smul.u32 $0xF7A, s1;
	s8 =	simm.s32 @!p0 $0x1BF5;
	p2 =	por !p2, p0  }
0x20: {  	[sflag:s8] =	ssyncset.s32 @!p0 $0xFFFFF086;
	s6 =	sadd.s32 @!p0 s3, s7;
	s7 =	simm.s32 @!p0 $0x108  }
0x21: {  	s3 =	sadd.s32 s3, s9;
	s6 =	sadd.s32 @!p0 $0x88, s6;
	s7 =	simm.s32 @p2 $0x1082  }
0x22: {  	[simem:s7], [sflag:s8] =	dma.local @!p0 [hbm:s6], $0xF7A  }
0x23: {  	s9 =	sor.u32 $0xD0000000, s2;
	s6 =	simm.s32 $0x108;
	_ =	swait.ge @!p0 [sflag:s8], $0x0  }
0x24: {  	s3 =	sadd.s32 $0x88, s3;
	s6 =	simm.s32 @!p1 $0x1082;
	[sflag:s4] =	ssyncset.s32 $0xFFFFF086  }
0x25: {  	[simem:s6], [sflag:s4] =	dma.local [hbm:s3], $0xF7A  }
0x26: {  	[smem:$0x3F9D] =	sst s1;
	(tag) =	ssettag s2;
	_ =	strace s9  }
0x27: {  	s1 =	sld [smem:$0x3FAD]  }
0x28: {  	s2 =	sld [smem:$0x3FAE]  }
0x29: {  	s4 =	sld [smem:$0x3FB0]  }
0x2a: {  	p0 =	seq.s32 s5, $0x0;
	s5 =	sld [smem:$0x3FB1]  }
0x2b: {  	s6 =	sld [smem:$0x3FB2]  }
0x2c: {  	s7 =	sld [smem:$0x3FB3]  }
0x2d: {  	s3 =	simm.s32 $0x108;
	s8 =	sld [smem:$0x3FB4]  }
0x2e: {  	s3 =	simm.s32 @!p0 $0x1082;
	s9 =	sld [smem:$0x3FB5]  }
0x2f: {  	lr =	sadd.s32 s0, s3;
	s0 =	sld [smem:$0x3FAC]  }
0x30: {  	s3 =	sld [smem:$0x3FAF]  }
0x31: {  	[smem:$0x3FB8] =	sst s10  }
0x32: {  	s10 =	sld [smem:$0x3FB6];
	_ =	sdelay $0x3  }
0x33: {  	p0 =	seq.s32 s10, $0x1;
	s10 =	sld [smem:$0x3FB8];
	_ =	sdelay $0x3  }
0x34: {  	[smem:$0x3FB8] =	sst s10  }
0x35: {  	s10 =	sld [smem:$0x3FB7];
	_ =	sdelay $0x3  }
0x36: {  	p1 =	seq.s32 s10, $0x1;
	s10 =	sld [smem:$0x3FB8];
	_ =	sdelay $0x3  }
0x37: {  	[smem:$0x3FB8] =	sst s10  }
0x38: {  	s10 =	sld [smem:$0x3FB9]  }
0x39: {  	_ = 	snop;
	(pc) =	sbr.ind lr, $3  }
0x3a: {  	_ = 	snop  }
0x3b: {  	_ = 	snop  }
0x3c: {  	p2 =	seq.s32 s10, $0x1;
	s10 =	sld [smem:$0x3FB8]  }
0x3d: {  	_ =	shalt  }
0x3e: {  	_ =	shalt  }
0x3f: {  	_ =	shalt  }
0x40: {  	_ =	shalt  }
0x41: {  	_ =	shalt  }
0x42: {  	_ =	shalt  }
0x43: {  	_ =	shalt  }
0x44: {  	_ =	shalt  }
0x45: {  	_ =	shalt  }
0x46: {  	_ =	shalt  }
0x47: {  	_ =	shalt  }
0x48: {  	_ =	shalt  }
0x49: {  	_ =	shalt  }
0x4a: {  	_ =	shalt  }
0x4b: {  	_ =	shalt  }
0x4c: {  	_ =	shalt  }
0x4d: {  	_ =	shalt  }
0x4e: {  	_ =	shalt  }
0x4f: {  	_ =	shalt  }
0x50: {  	_ =	shalt  }
0x51: {  	_ =	shalt  }
0x52: {  	_ =	shalt  }
0x53: {  	_ =	shalt  }
0x54: {  	_ =	shalt  }
0x55: {  	_ =	shalt  }
0x56: {  	_ =	shalt  }
0x57: {  	_ =	shalt  }
0x58: {  	_ =	shalt  }
0x59: {  	_ =	shalt  }
0x5a: {  	_ =	shalt  }
0x5b: {  	_ =	shalt  }
0x5c: {  	_ =	shalt  }
0x5d: {  	_ =	shalt  }
0x5e: {  	_ =	shalt  }
0x5f: {  	_ =	shalt  }
0x60: {  	_ =	shalt  }
0x61: {  	_ =	shalt  }
0x62: {  	_ =	shalt  }
0x63: {  	_ =	shalt  }
0x64: {  	_ =	shalt  }
0x65: {  	_ =	shalt  }
0x66: {  	_ =	shalt  }
0x67: {  	_ =	shalt  }
0x68: {  	_ =	shalt  }
0x69: {  	_ =	shalt  }
0x6a: {  	_ =	shalt  }
0x6b: {  	_ =	shalt  }
0x6c: {  	_ =	shalt  }
0x6d: {  	_ =	shalt  }
0x6e: {  	_ =	shalt  }
0x6f: {  	_ =	shalt  }
0x70: {  	_ =	shalt  }
0x71: {  	_ =	shalt  }
0x72: {  	_ =	shalt  }
0x73: {  	_ =	shalt  }
0x74: {  	_ =	shalt  }
0x75: {  	_ =	shalt  }
0x76: {  	_ =	shalt  }
0x77: {  	_ =	shalt  }
0x78: {  	_ =	shalt  }
0x79: {  	_ =	shalt  }
0x7a: {  	_ =	shalt  }
0x7b: {  	_ =	shalt  }
0x7c: {  	_ =	shalt  }
0x7d: {  	_ =	shalt  }
0x7e: {  	_ =	shalt  }
0x7f: {  	_ =	shalt  }
0x80: {  	_ =	shalt  }
0x81: {  	_ =	shalt  }
0x82: {  	_ =	shalt  }
0x83: {  	_ =	shalt  }
0x84: {  	_ =	shalt  }
0x85: {  	_ =	shalt  }
0x86: {  	_ =	shalt  }
0x87: {  	_ =	shalt  }
.Lfunc_end0:
.L_simem_size_0:
called_computation.1_lowered:
.L_overlay_start_0:
0x88: {  	s2 =	sld [smem:$0x3FD9]  }
0x89: {  	s3 =	sld [smem:$0x3FFE];
	_ =	sdelay $0x1  }
0x8a: {  	s1 =	srdreg.scid  }
0x8b: {  	s0 =	sand.u32 $0x1, s1  }
0x8c: {  	s14 =	sshll.u32 s0, $0xA;
	s2 =	sadd.s32 s3, s2  }
0x8d: {  	s2 =	sadd.s32 s2, s14  }
0x8e: {  	[smem:$0x3FC4] =	sst s2  }
0x8f: {  	_ = 	snop  }
0x90: {  	s2 =	sld [smem:$0x3FD0];
	_ =	sdelay $0x2  }
0x91: {  	s15 =	simm.s32 $0xB;
	s4 =	simm.s32 $0x10  }
0x92: {  	[smem:s4], [sflag:s15] =	dma.local [hbm:s2], $0x1  }
0x93: {  	_ =	swait.eq [sflag:s15], $0x1  }
0x94: {  	[sflag:s15] =	ssyncset.done $0x0  }
0x95: {  	[sflag:s15] =	ssyncadd.s32 $0xFFFFFFFF  }
0x96: {  	s16 =	sld [smem:$0x11];
	(tm) =	ssettm $0x1  }
0x97: {  	s17 =	sld [smem:$0x3FFB];
	_ =	sdelay $0x3  }
0x98: {  	_ =	strace s17  }
0x99: {  	s3 =	sld [smem:$0x3FFC];
	_ =	sdelay $0x3  }
0x9a: {  	_ =	strace s3  }
0x9b: {  	s3 =	sld [smem:$0x3FFD];
	_ =	sdelay $0x3  }
0x9c: {  	_ =	strace s3  }
0x9d: {  	_ =	strace $0x8FFFFFFF  }
0x9e: {  	s18 =	sld [smem:$0x3FDB];
	_ =	sdelay $0x1  }
0x9f: {  	s19 =	simm.s32 $_scs_section_size  }
0xa0: {  	s5 =	simm.s32 $_size__tile_overlayer_lowered;
	s6 =	simm.s32 $_tile_overlayer_lowered  }
0xa1: {  	s22 =	simm.s32 $0x1BFF;
	s21 =	sshll.u32 s6, $0x1;
	s3 =	sadd.s32 s19, s18  }
0xa2: {  	s7 =	simm.s32 $0x0;
	s20 =	sshll.u32 s5, $0x1;
	s5 =	sadd.s32 s21, s3  }
0xa3: {  	[timem:s7], [sflag:s22] =	dma.local [hbm:s5], s20  }
0xa4: {  	_ =	swait.ge [sflag:s22], s20  }
0xa5: {  	s4 =	ssub.s32 $0x0, s20;
	[sflag:s22] =	ssyncset.done $0x0  }
0xa6: {  	[sflag:s22] =	ssyncadd.s32 s4;
	_ =	sdelay $0x1  }
0xa7: {  	s23 =	simm.s32 $0x1B8B  }
0xa8: {  	_ =	swait.ge [sflag:s23], $0x1  }
0xa9: {  	[sflag:s23] =	ssyncset.done $0x0  }
0xaa: {  	s25 =	simm.s32 $0x1B8E;
	s24 =	sld [smem:$0x3FFE];
	[sflag:s23] =	ssyncadd.s32 $0xFFFFFFFF  }
0xab: {  	s26 =	simm.s32 $execute0_lowered;
	[smem:$0x3FD2] =	sst s25  }
0xac: {  	s5 =	sshll.u32 s26, $0x1;
	_ =	strace $0x80000049;
	[dreg:$0x1] =	wrdreg $0xFFFFFFFF  }
0xad: {  	s28 =	simm.s32 $_size_execute0_lowered;
	s3 =	sadd.s32 s3, s5;
	[dreg:$0x0] =	wrdreg $0x0  }
0xae: {  	s5 =	sshll.u32 s28, $0x1;
	[dreg:$0x2] =	wrdreg s3  }
0xaf: {  	[dreg:$0x3] =	wrdreg s5  }
0xb0: {  	[dreg:$0x4] =	wrdreg $0xC0  }
0xb1: {  	_ =	task [dreg:s7], $0x5FFFF  }
0xb2: {  	[dreg:$0x1] =	wrdreg $0xFFFFFFFF  }
0xb3: {  	[dreg:$0x0] =	wrdreg $0x60  }
0xb4: {  	[dreg:$0x2] =	wrdreg s24  }
0xb5: {  	[dreg:$0x3] =	wrdreg s16  }
0xb6: {  	[dreg:$0x4] =	wrdreg $0x9  }
0xb7: {  	_ =	task.clear_ibuf [dreg:s7], $0x5FFFF;
	_ =	strace $0x90000049  }
0xb8: {  	s29 =	simm.s32 $0x9;
	_ =	strace $0x8000004B  }
0xb9: {  	_ =	swait.ge [sflag:s29], $0x1  }
0xba: {  	[sflag:s29] =	ssyncadd.s32 $0xFFFFFFFF  }
0xbb: {  	_ =	strace $0x9000004B  }
0xbc: {  	_ =	sfence  }
0xbd: {  	s30 =	sld [smem:$0x0];
	_ =	sdelay $0x2  }
0xbe: {  	s31 =	sshll.u32 s1, $0xD;
	s1 =	sshrl.u32 s1, $0x2  }
0xbf: {  	s3 =	sand.u32 $0x4000, s31;
	s1 =	sadd.s32 s1, s30  }
0xc0: {  	s0 =	sor.u32 s3, s0;
	s1 =	sshll.u32 s1, $0x11  }
0xc1: {  	s0 =	sor.u32 s1, s0  }
0xc2: {  	s0 =	sadd.s32 $0x8F2B, s0  }
0xc3: {  	[sflag:s0] =	ssyncadd.remote.s32 $0x1  }
0xc4: {  	_ =	sfence.sel $0xFFFF  }
0xc5: {  	[dreg:$0x0] =	wrdreg $0xFFFFFFFF;
	(pc) =	sbr.abs _section_cstart, $3  }
0xc6: {  	[dreg:$0x1] =	wrdreg $0xFFFFFFFF  }
0xc7: {  	_ =	task.clear_ibuf [dreg:s7], $0x2FFFF;
	_ =	strace $0x9FFFFFFF  }
0xc8: {  	(tm) =	ssettm $0x7FFFFFFF  }
0xc9: {  	_ =	shalt  }
tec
execute0_lowered:
.L_overlay_start_1:
0x0: {  	(tag) =	ssettag $0x1  }
0x1: {  	s1 =	srdreg.scid;
	s7 =	rddreg [dreg:$0x0]  }
0x2: {  	s0 =	stileid.u32;
	s8 =	rddreg [dreg:$0x1]  }
0x3: {  	s2 =	simm.s32 $0x0;
	s11 =	simm.s32 $0x80;
	s12 =	simm.s32 $0x880  }
0x4: {  	s13 =	simm.s32 $0x1080;
	s14 =	simm.s32 $0x1880;
	s15 =	simm.s32 $0x2080  }
0x5: {  	s16 =	simm.s32 $0x2880;
	s17 =	simm.s32 $0x3080;
	s18 =	simm.s32 $0x3880  }
0x6: {  	s19 =	simm.s32 $0x4080;
	s20 =	simm.s32 $0x4880;
	s21 =	simm.s32 $0x5080  }
0x7: {  	s22 =	simm.s32 $0x5880;
	s23 =	simm.s32 $0x6080;
	s24 =	simm.s32 $0x6880  }
0x8: {  	s25 =	simm.s32 $0x7080;
	s26 =	simm.s32 $0x7880;
	s28 =	simm.s32 $0x1  }
0x9: {  	s3 =	sand.u32 $0x1, s1;
	s4 =	sshll.u32 s0, $0x6;
	s1 =	rddreg [dreg:$0x2]  }
0xa: {  	[smem:$0x7FF] =	sst s2;
	s5 =	sshll.u32 s3, $0x5;
	s31 =	ssub.s32 $0x2, s3  }
0xb: {  	_ =	strace $0x8000004A;
	s3 =	sadd.s32 $0x1800, s7;
	s9 =	sor.u32 s5, s4  }
0xc: {  	s6 =	sshrl.u32 s31, $0x1;
	s5 =	sadd.s32 $0x1900, s7;
	s4 =	sshrl.u32 s9, $0x3  }
0xd: {  	v2 =	vlaneseq.u32;
	s10 =	ssub.s32 s31, s6;
	s6 =	sadd.s32 $0x1A00, s7;
	s9 =	sshll.u32 s9, $0x7  }
0xe: {  	vm0 =	vmmov $0xffff;
	v1 =	vshrl.u32 v2, $0x3;
	s4 =	sadd.s32 s4, s7;
	s7 =	sadd.s32 $0x1B00, s7;
	s8 =	sadd.s32 s8, s9  }
0xf: {  	v0 =	vand.u32 $0x7, v2;
	v2 =	vor.u32 $0x8, v2;
	v1 =	vmul.u32 $0x8, v1;
	s9 =	smax.u32 s10, $0x1;
	s10 =	simm.s32 $0x2;
	s4 =	sadd.s32 $0x1600, s4  }
.LBB2_1:
0x10: {  	[tilespmem:s2], [sflag:$0x2] =	stream.linear.gather [hbm4b:s4+s2], $0x20, $0x38;
	[tilespmem:$0x8080] =	vst v63  }
0x11: {  	_ =	swait.ge [sflag:s10], $0x20  }
0x12: {  	[sflag:s10] =	ssyncset.done $0x0  }
0x13: {  	[sflag:s10] =	ssyncadd.s32 $0xFFFFFFE0  }
0x14: {  	v3 =	vld [tilespmem:$0x0];
	_ =	sdelay $0x4  }
0x15: {  	v4 =	vshll.u32 v3, $0x3  }
0x16: {  	v3 =	vand.u32 $0x7, v3;
	v4 =	vand.u32 $0xFFFFFFC0, v4  }
0x17: {  	v3 =	vor.u32 v3, v4  }
0x18: {  	v4 =	vperm.xlane v3, v0;
	_ =	sdelay $0x1  }
0x19: {  	v4 =	vadd.s32 v1, v4;
	_ =	sdelay $0x4  }
0x1a: {  	[tilespmem:s11], [sflag:$0x1] =	stream.indirect_vreg.gather [hbm4b:s3+s2], $0x80, v4, vm0, $0xb8;
	[tilespmem:$0x8080] =	vst v63  }
0x1b: {  	v3 =	vperm.xlane v3, v2  }
0x1c: {  	[tilespmem:s12], [sflag:$0x1] =	stream.indirect_vreg.gather [hbm4b:s5+s2], $0x80, v4, vm0, $0xb8;
	[tilespmem:$0x8080] =	vst v63  }
0x1d: {  	v3 =	vadd.s32 v1, v3  }
0x1e: {  	[tilespmem:s13], [sflag:$0x1] =	stream.indirect_vreg.gather [hbm4b:s6+s2], $0x80, v4, vm0, $0xb8;
	[tilespmem:$0x8080] =	vst v63  }
0x1f: {  	_ = 	snop  }
0x20: {  	[tilespmem:s14], [sflag:$0x1] =	stream.indirect_vreg.gather [hbm4b:s7+s2], $0x80, v4, vm0, $0xb8;
	[tilespmem:$0x8080] =	vst v63  }
0x21: {  	_ = 	snop  }
0x22: {  	[tilespmem:s15], [sflag:$0x1] =	stream.indirect_vreg.gather [hbm4b:s3+s2], $0x80, v3, vm0, $0xb8;
	[tilespmem:$0x8080] =	vst v63  }
0x23: {  	_ = 	snop  }
0x24: {  	[tilespmem:s16], [sflag:$0x1] =	stream.indirect_vreg.gather [hbm4b:s5+s2], $0x80, v3, vm0, $0xb8;
	[tilespmem:$0x8080] =	vst v63  }
0x25: {  	_ = 	snop  }
0x26: {  	[tilespmem:s17], [sflag:$0x1] =	stream.indirect_vreg.gather [hbm4b:s6+s2], $0x80, v3, vm0, $0xb8;
	[tilespmem:$0x8080] =	vst v63  }
0x27: {  	_ = 	snop  }
0x28: {  	[tilespmem:s18], [sflag:$0x1] =	stream.indirect_vreg.gather [hbm4b:s7+s2], $0x80, v3, vm0, $0xb8;
	[tilespmem:$0x8080] =	vst v63  }
0x29: {  	v3 =	vld [tilespmem:$0x10];
	_ =	sdelay $0x4  }
0x2a: {  	v63 =	vshll.u32 v3, $0x3  }
0x2b: {  	v3 =	vand.u32 $0x7, v3;
	v4 =	vand.u32 $0xFFFFFFC0, v63  }
0x2c: {  	v3 =	vor.u32 v3, v4  }
0x2d: {  	v4 =	vperm.xlane v3, v0;
	_ =	sdelay $0x1  }
0x2e: {  	v4 =	vadd.s32 v1, v4;
	_ =	sdelay $0x4  }
0x2f: {  	[tilespmem:s19], [sflag:$0x1] =	stream.indirect_vreg.gather [hbm4b:s3+s2], $0x80, v4, vm0, $0xb8;
	[tilespmem:$0x8080] =	vst v63  }
0x30: {  	v3 =	vperm.xlane v3, v2  }
0x31: {  	[tilespmem:s20], [sflag:$0x1] =	stream.indirect_vreg.gather [hbm4b:s5+s2], $0x80, v4, vm0, $0xb8;
	[tilespmem:$0x8080] =	vst v63  }
0x32: {  	v3 =	vadd.s32 v1, v3  }
0x33: {  	[tilespmem:s21], [sflag:$0x1] =	stream.indirect_vreg.gather [hbm4b:s6+s2], $0x80, v4, vm0, $0xb8;
	[tilespmem:$0x8080] =	vst v63  }
0x34: {  	_ = 	snop  }
0x35: {  	[tilespmem:s22], [sflag:$0x1] =	stream.indirect_vreg.gather [hbm4b:s7+s2], $0x80, v4, vm0, $0xb8;
	[tilespmem:$0x8080] =	vst v63  }
0x36: {  	_ = 	snop  }
0x37: {  	[tilespmem:s23], [sflag:$0x1] =	stream.indirect_vreg.gather [hbm4b:s3+s2], $0x80, v3, vm0, $0xb8;
	[tilespmem:$0x8080] =	vst v63  }
0x38: {  	_ = 	snop  }
0x39: {  	[tilespmem:s24], [sflag:$0x1] =	stream.indirect_vreg.gather [hbm4b:s5+s2], $0x80, v3, vm0, $0xb8;
	[tilespmem:$0x8080] =	vst v63  }
0x3a: {  	_ = 	snop  }
0x3b: {  	[tilespmem:s25], [sflag:$0x1] =	stream.indirect_vreg.gather [hbm4b:s6+s2], $0x80, v3, vm0, $0xb8;
	[tilespmem:$0x8080] =	vst v63  }
0x3c: {  	_ = 	snop  }
0x3d: {  	[tilespmem:s26], [sflag:$0x1] =	stream.indirect_vreg.gather [hbm4b:s7+s2], $0x80, v3, vm0, $0xb8;
	[tilespmem:$0x8080] =	vst v63  }
0x3e: {  	_ =	swait.ge [sflag:s28], $0x8000  }
0x3f: {  	p0 =	sne.s32 s9, $0x1;
	[sflag:s28] =	ssyncset.done $0x0  }
.Ltmp0:
0x40: {  	[sflag:s28] =	ssyncadd.s32 $0xFFFF8000;
	(pc) =	sbr.rel @p0 .LBB2_1-.Ltmp0, $4  }
0x41: {  	[hbm4b:s8+s2] =	stream.linear.scatter [tilespmem:s11], [sflag:$0x2], $0x8000, $0x38;
	[tilespmem:$0x8080] =	vst v63  }
0x42: {  	_ =	swait.ge [sflag:s10], $0x8000  }
0x43: {  	[sflag:s10] =	ssyncset.done $0x0  }
0x44: {  	s9 =	sadd.s32 $0xFFFFFFFF, s9;
	[sflag:s10] =	ssyncadd.s32 $0xFFFF8000  }
0x45: {  	_ =	sfence.sel $0x180000  }
0x46: {  	[bflag:$0x0] =	sbarrier.arrive $0xFFFF  }
0x47: {  	p0 =	sne.s32 s0, $0x0;
	_ =	strace $0x9000004A  }
0x48: {  	s0 =	sadd.s32 @!p0 $0x100000, s1;
	[bflag:$0x2] =	sbarrier.arrive $0xFFFF  }
0x49: {  	[sflag:s0] =	ssyncadd.tile.s32 @!p0 $0x1;
	_ =	shalt  }
.Lfunc_end2:
_tile_overlayer_lowered:
.L_overlay_start_2:
0x4a: {  	(tag) =	ssettag $0x2  }
0x4b: {  	s0 =	rddreg [dreg:$0x0];
	s2 =	stileid.u32  }
0x4c: {  	s1 =	rddreg [dreg:$0x1];
	p0 =	sne.s32 s2, $0x0  }
0x4d: {  	s3 =	rddreg [dreg:$0x2];
	[bflag:$0x3] =	sbarrier.arrive $0xFFFF;
	s2 =	simm.s32 @!p0 $0x1C02  }
0x4e: {  	[timem:s3], [sflag:s2] =	dma.local @!p0 [hbm:s0], s1  }
0x4f: {  	s0 =	simm.s32 @!p0 $0x2  }
0x50: {  	_ =	swait.ge @!p0 [sflag:s0], s1  }
0x51: {  	s1 =	ssub.s32 @!p0 $0x0, s1;
	[sflag:s0] =	ssyncset.done @!p0 $0x0  }
0x52: {  	[sflag:s0] =	ssyncadd.s32 @!p0 s1  }
0x53: {  	[bflag:$0x3] =	sbarrier.arrive $0xFFFF  }
0x54: {  	_ =	shalt  }

// kernel: kernel.17.cloned.1.call-start
scs
__scs_entry_jumppad:
0x0: {  	(pc) =	sbr.rel $0x88, $3  }
0x1: {  	(tag) =	ssettag $0x0;
	lr =	simm.s32 $0x1  }
0x2: {  	[smem:$0x3F9D] =	sst lr;
	_ =	strace $0xD0000000  }
0x3: {  	_ = 	snop  }
0x4: {  	_ = 	snop  }
0x5: {  	_ = 	snop  }
0x6: {  	_ = 	snop  }
0x7: {  	_ = 	snop  }
__scs_overlays_trampoline_lowered:
0x8: {  	[smem:$0x3FAC] =	sst s0  }
0x9: {  	[smem:$0x3FAD] =	sst s1  }
0xa: {  	[smem:$0x3FAE] =	sst s2  }
0xb: {  	[smem:$0x3FAF] =	sst s3  }
0xc: {  	[smem:$0x3FB0] =	sst s4  }
0xd: {  	[smem:$0x3FB1] =	sst s5  }
0xe: {  	[smem:$0x3FB2] =	sst s6  }
0xf: {  	[smem:$0x3FB3] =	sst s7  }
0x10: {  	[smem:$0x3FB4] =	sst s8  }
0x11: {  	[smem:$0x3FB5] =	sst s9;
	s0 =	simm.s32 @!p0 $0x0  }
0x12: {  	s1 =	sld [smem:$0x3F9B];
	s0 =	simm.s32 @p0 $0x1  }
0x13: {  	[smem:$0x3FB6] =	sst s0;
	s0 =	simm.s32 @!p1 $0x0  }
0x14: {  	s2 =	sld [smem:$0x3F9A];
	s0 =	simm.s32 @p1 $0x1  }
0x15: {  	[smem:$0x3FB7] =	sst s0;
	s0 =	simm.s32 @!p2 $0x0  }
0x16: {  	s3 =	sld [smem:$0x3FDB];
	s0 =	simm.s32 @p2 $0x1  }
0x17: {  	s4 =	simm.s32 $0x1BF5;
	[smem:$0x3FB9] =	sst s0  }
0x18: {  	s0 =	sld [smem:$0x3F9C];
	_ =	swait.ge [sflag:s4], $0x0  }
0x19: {  	s7 =	sld [smem:$0x3F9D]  }
0x1a: {  	s8 =	sadd.s32 $0xFFFFE003, lr  }
0x1b: {  	s9 =	sadd.s32 $0xFFFFFEF7, lr;
	s5 =	simm.s32 $0xFFFFFFFF;
	p2 =	slt.u32 s8, $0xFFFFF086  }
0x1c: {  	p1 =	slt.u32 s9, $0xF7A;
	s5 =	simm.s32 @!p2 $0x0  }
0x1d: {  	s5 =	simm.s32 @p1 $0x1;
	p0 =	seq.s32 s7, s2  }
0x1e: {  	s7 =	smul.u32 @!p0 $0xF7A, s2;
	p2 =	seq.s32 @!p0 s5, $0x0  }
0x1f: {  	s9 =	smul.u32 $0xF7A, s1;
	s8 =	simm.s32 @!p0 $0x1BF5;
	p2 =	por !p2, p0  }
0x20: {  	[sflag:s8] =	ssyncset.s32 @!p0 $0xFFFFF086;
	s6 =	sadd.s32 @!p0 s3, s7;
	s7 =	simm.s32 @!p0 $0x108  }
0x21: {  	s3 =	sadd.s32 s3, s9;
	s6 =	sadd.s32 @!p0 $0x88, s6;
	s7 =	simm.s32 @p2 $0x1082  }
0x22: {  	[simem:s7], [sflag:s8] =	dma.local @!p0 [hbm:s6], $0xF7A  }
0x23: {  	s9 =	sor.u32 $0xD0000000, s2;
	s6 =	simm.s32 $0x108;
	_ =	swait.ge @!p0 [sflag:s8], $0x0  }
0x24: {  	s3 =	sadd.s32 $0x88, s3;
	s6 =	simm.s32 @!p1 $0x1082;
	[sflag:s4] =	ssyncset.s32 $0xFFFFF086  }
0x25: {  	[simem:s6], [sflag:s4] =	dma.local [hbm:s3], $0xF7A  }
0x26: {  	[smem:$0x3F9D] =	sst s1;
	(tag) =	ssettag s2;
	_ =	strace s9  }
0x27: {  	s1 =	sld [smem:$0x3FAD]  }
0x28: {  	s2 =	sld [smem:$0x3FAE]  }
0x29: {  	s4 =	sld [smem:$0x3FB0]  }
0x2a: {  	p0 =	seq.s32 s5, $0x0;
	s5 =	sld [smem:$0x3FB1]  }
0x2b: {  	s6 =	sld [smem:$0x3FB2]  }
0x2c: {  	s7 =	sld [smem:$0x3FB3]  }
0x2d: {  	s3 =	simm.s32 $0x108;
	s8 =	sld [smem:$0x3FB4]  }
0x2e: {  	s3 =	simm.s32 @!p0 $0x1082;
	s9 =	sld [smem:$0x3FB5]  }
0x2f: {  	lr =	sadd.s32 s0, s3;
	s0 =	sld [smem:$0x3FAC]  }
0x30: {  	s3 =	sld [smem:$0x3FAF]  }
0x31: {  	[smem:$0x3FB8] =	sst s10  }
0x32: {  	s10 =	sld [smem:$0x3FB6];
	_ =	sdelay $0x3  }
0x33: {  	p0 =	seq.s32 s10, $0x1;
	s10 =	sld [smem:$0x3FB8];
	_ =	sdelay $0x3  }
0x34: {  	[smem:$0x3FB8] =	sst s10  }
0x35: {  	s10 =	sld [smem:$0x3FB7];
	_ =	sdelay $0x3  }
0x36: {  	p1 =	seq.s32 s10, $0x1;
	s10 =	sld [smem:$0x3FB8];
	_ =	sdelay $0x3  }
0x37: {  	[smem:$0x3FB8] =	sst s10  }
0x38: {  	s10 =	sld [smem:$0x3FB9]  }
0x39: {  	_ = 	snop;
	(pc) =	sbr.ind lr, $3  }
0x3a: {  	_ = 	snop  }
0x3b: {  	_ = 	snop  }
0x3c: {  	p2 =	seq.s32 s10, $0x1;
	s10 =	sld [smem:$0x3FB8]  }
0x3d: {  	_ =	shalt  }
0x3e: {  	_ =	shalt  }
0x3f: {  	_ =	shalt  }
0x40: {  	_ =	shalt  }
0x41: {  	_ =	shalt  }
0x42: {  	_ =	shalt  }
0x43: {  	_ =	shalt  }
0x44: {  	_ =	shalt  }
0x45: {  	_ =	shalt  }
0x46: {  	_ =	shalt  }
0x47: {  	_ =	shalt  }
0x48: {  	_ =	shalt  }
0x49: {  	_ =	shalt  }
0x4a: {  	_ =	shalt  }
0x4b: {  	_ =	shalt  }
0x4c: {  	_ =	shalt  }
0x4d: {  	_ =	shalt  }
0x4e: {  	_ =	shalt  }
0x4f: {  	_ =	shalt  }
0x50: {  	_ =	shalt  }
0x51: {  	_ =	shalt  }
0x52: {  	_ =	shalt  }
0x53: {  	_ =	shalt  }
0x54: {  	_ =	shalt  }
0x55: {  	_ =	shalt  }
0x56: {  	_ =	shalt  }
0x57: {  	_ =	shalt  }
0x58: {  	_ =	shalt  }
0x59: {  	_ =	shalt  }
0x5a: {  	_ =	shalt  }
0x5b: {  	_ =	shalt  }
0x5c: {  	_ =	shalt  }
0x5d: {  	_ =	shalt  }
0x5e: {  	_ =	shalt  }
0x5f: {  	_ =	shalt  }
0x60: {  	_ =	shalt  }
0x61: {  	_ =	shalt  }
0x62: {  	_ =	shalt  }
0x63: {  	_ =	shalt  }
0x64: {  	_ =	shalt  }
0x65: {  	_ =	shalt  }
0x66: {  	_ =	shalt  }
0x67: {  	_ =	shalt  }
0x68: {  	_ =	shalt  }
0x69: {  	_ =	shalt  }
0x6a: {  	_ =	shalt  }
0x6b: {  	_ =	shalt  }
0x6c: {  	_ =	shalt  }
0x6d: {  	_ =	shalt  }
0x6e: {  	_ =	shalt  }
0x6f: {  	_ =	shalt  }
0x70: {  	_ =	shalt  }
0x71: {  	_ =	shalt  }
0x72: {  	_ =	shalt  }
0x73: {  	_ =	shalt  }
0x74: {  	_ =	shalt  }
0x75: {  	_ =	shalt  }
0x76: {  	_ =	shalt  }
0x77: {  	_ =	shalt  }
0x78: {  	_ =	shalt  }
0x79: {  	_ =	shalt  }
0x7a: {  	_ =	shalt  }
0x7b: {  	_ =	shalt  }
0x7c: {  	_ =	shalt  }
0x7d: {  	_ =	shalt  }
0x7e: {  	_ =	shalt  }
0x7f: {  	_ =	shalt  }
0x80: {  	_ =	shalt  }
0x81: {  	_ =	shalt  }
0x82: {  	_ =	shalt  }
0x83: {  	_ =	shalt  }
0x84: {  	_ =	shalt  }
0x85: {  	_ =	shalt  }
0x86: {  	_ =	shalt  }
0x87: {  	_ =	shalt  }
.Lfunc_end0:
.L_simem_size_0:
called_computation.2_lowered:
.L_overlay_start_0:
0x88: {  	s2 =	sld [smem:$0x3FD9]  }
0x89: {  	s3 =	sld [smem:$0x3FFE];
	_ =	sdelay $0x1  }
0x8a: {  	s1 =	srdreg.scid  }
0x8b: {  	s0 =	sand.u32 $0x1, s1  }
0x8c: {  	s15 =	sshll.u32 s0, $0xA;
	s2 =	sadd.s32 s3, s2  }
0x8d: {  	s2 =	sadd.s32 s2, s15  }
0x8e: {  	[smem:$0x3FC4] =	sst s2  }
0x8f: {  	_ = 	snop  }
0x90: {  	s2 =	sld [smem:$0x3FD0];
	_ =	sdelay $0x2  }
0x91: {  	s16 =	simm.s32 $0xB;
	s4 =	simm.s32 $0x10  }
0x92: {  	[smem:s4], [sflag:s16] =	dma.local [hbm:s2], $0x1  }
0x93: {  	_ =	swait.eq [sflag:s16], $0x1  }
0x94: {  	[sflag:s16] =	ssyncset.done $0x0  }
0x95: {  	[sflag:s16] =	ssyncadd.s32 $0xFFFFFFFF  }
0x96: {  	s17 =	sld [smem:$0x10];
	(tm) =	ssettm $0x1  }
0x97: {  	s18 =	sld [smem:$0x3FFB];
	_ =	sdelay $0x3  }
0x98: {  	_ =	strace s18  }
0x99: {  	s2 =	sld [smem:$0x3FFC];
	_ =	sdelay $0x3  }
0x9a: {  	_ =	strace s2  }
0x9b: {  	s2 =	sld [smem:$0x3FFD];
	_ =	sdelay $0x3  }
0x9c: {  	_ =	strace s2  }
0x9d: {  	_ =	strace $0x8FFFFFFF  }
0x9e: {  	s19 =	sld [smem:$0x3FDB];
	_ =	sdelay $0x1  }
0x9f: {  	s20 =	simm.s32 $_scs_section_size  }
0xa0: {  	s5 =	simm.s32 $_size__tile_overlayer_lowered;
	s6 =	simm.s32 $_tile_overlayer_lowered  }
0xa1: {  	s7 =	simm.s32 $0x1BFF;
	s21 =	sshll.u32 s6, $0x1;
	s4 =	sadd.s32 s20, s19  }
0xa2: {  	s22 =	simm.s32 $0x0;
	s5 =	sshll.u32 s5, $0x1;
	s6 =	sadd.s32 s21, s4  }
0xa3: {  	[timem:s22], [sflag:s7] =	dma.local [hbm:s6], s5  }
0xa4: {  	_ =	swait.ge [sflag:s7], s5  }
0xa5: {  	s5 =	ssub.s32 $0x0, s5;
	[sflag:s7] =	ssyncset.done $0x0  }
0xa6: {  	[sflag:s7] =	ssyncadd.s32 s5;
	_ =	sdelay $0x1  }
0xa7: {  	s23 =	simm.s32 $0x1B8B  }
0xa8: {  	_ =	swait.ge [sflag:s23], $0x1  }
0xa9: {  	[sflag:s23] =	ssyncset.done $0x0  }
0xaa: {  	[sflag:s23] =	ssyncadd.s32 $0xFFFFFFFF  }
0xab: {  	s5 =	sld [smem:$0x0]  }
0xac: {  	s6 =	sand.u32 $0xFFFFFFFE, s1  }
0xad: {  	p0 =	sne.s32 s1, s6  }
0xae: {  	s6 =	sshll.u32 @p0 s6, $0xE  }
0xaf: {  	s6 =	sadd.s32 @p0 $0x11B8D, s6;
	s7 =	sshll.u32 @p0 s5, $0x11  }
0xb0: {  	s6 =	sor.u32 @p0 s7, s6  }
0xb1: {  	[sflag:s6] =	ssyncadd.remote.s32 @p0 $0x1;
	_ =	sdelay $0x1  }
0xb2: {  	s6 =	simm.s32 @p0 $0x1B8D  }
0xb3: {  	_ =	swait.eq @p0 [sflag:s6], $0x1  }
0xb4: {  	[sflag:s6] =	ssyncadd.s32 @p0 $0xFFFFFFFF  }
0xb5: {  	s7 =	sshll.u32 @!p0 s1, $0xE  }
0xb6: {  	s7 =	sor.u32 @!p0 $0x4000, s7;
	s6 =	simm.s32 @!p0 $0x1B8D  }
0xb7: {  	s5 =	sshll.u32 @!p0 s5, $0x11;
	s7 =	sadd.s32 @!p0 $0x11B8D, s7;
	_ =	swait.eq @!p0 [sflag:s6], $0x1  }
0xb8: {  	s5 =	sor.u32 @!p0 s5, s7;
	[sflag:s6] =	ssyncadd.s32 @!p0 $0xFFFFFFFF  }
0xb9: {  	s25 =	simm.s32 $0x1B8E;
	s24 =	sld [smem:$0x3FFE];
	[sflag:s5] =	ssyncadd.remote.s32 @!p0 $0x1  }
0xba: {  	s26 =	simm.s32 $execute0_lowered;
	[smem:$0x3FD2] =	sst s25  }
0xbb: {  	s6 =	sshll.u32 s26, $0x1;
	_ =	strace $0x8000004C;
	[dreg:$0x1] =	wrdreg $0xFFFFFFFF  }
0xbc: {  	s28 =	simm.s32 $_size_execute0_lowered;
	s4 =	sadd.s32 s4, s6;
	[dreg:$0x0] =	wrdreg $0x0  }
0xbd: {  	s6 =	sshll.u32 s28, $0x1;
	[dreg:$0x2] =	wrdreg s4  }
0xbe: {  	[dreg:$0x3] =	wrdreg s6  }
0xbf: {  	[dreg:$0x4] =	wrdreg $0xC0  }
0xc0: {  	_ =	task [dreg:s22], $0x5FFFF  }
0xc1: {  	[dreg:$0x1] =	wrdreg $0xFFFFFFFF  }
0xc2: {  	[dreg:$0x0] =	wrdreg $0x60  }
0xc3: {  	[dreg:$0x2] =	wrdreg s24  }
0xc4: {  	[dreg:$0x3] =	wrdreg s17  }
0xc5: {  	[dreg:$0x4] =	wrdreg $0xA  }
0xc6: {  	_ =	task.clear_ibuf [dreg:s22], $0x5FFFF;
	_ =	strace $0x9000004C  }
0xc7: {  	s29 =	simm.s32 $0xA;
	_ =	strace $0x8000004E  }
0xc8: {  	_ =	swait.ge [sflag:s29], $0x1  }
0xc9: {  	[sflag:s29] =	ssyncadd.s32 $0xFFFFFFFF  }
0xca: {  	_ =	strace $0x9000004E  }
0xcb: {  	_ =	sfence  }
0xcc: {  	s30 =	sld [smem:$0x0];
	_ =	sdelay $0x2  }
0xcd: {  	s31 =	sshll.u32 s1, $0xD;
	s1 =	sshrl.u32 s1, $0x2  }
0xce: {  	s4 =	sand.u32 $0x4000, s31;
	s1 =	sadd.s32 s1, s30  }
0xcf: {  	s0 =	sor.u32 s4, s0;
	s1 =	sshll.u32 s1, $0x11  }
0xd0: {  	s0 =	sor.u32 s1, s0  }
0xd1: {  	s0 =	sadd.s32 $0x8F2B, s0  }
0xd2: {  	[sflag:s0] =	ssyncadd.remote.s32 $0x1  }
0xd3: {  	_ =	sfence.sel $0xFFFF  }
0xd4: {  	[dreg:$0x0] =	wrdreg $0xFFFFFFFF;
	(pc) =	sbr.abs _section_cstart, $3  }
0xd5: {  	[dreg:$0x1] =	wrdreg $0xFFFFFFFF  }
0xd6: {  	_ =	task.clear_ibuf [dreg:s22], $0x2FFFF;
	_ =	strace $0x9FFFFFFF  }
0xd7: {  	(tm) =	ssettm $0x7FFFFFFF  }
tec
execute0_lowered:
.L_overlay_start_1:
0x0: {  	(tag) =	ssettag $0x1  }
0x1: {  	s5 =	rddreg [dreg:$0x0]  }
0x2: {  	s6 =	rddreg [dreg:$0x1];
	s2 =	srdreg.scid  }
0x3: {  	s0 =	rddreg [dreg:$0x2];
	s1 =	stileid.u32;
	s10 =	simm.s32 $0x880  }
0x4: {  	s11 =	simm.s32 $0x1080;
	s12 =	simm.s32 $0x1880;
	s13 =	simm.s32 $0x2080  }
0x5: {  	s14 =	simm.s32 $0x2880;
	s15 =	simm.s32 $0x3080;
	s16 =	simm.s32 $0x3880  }
0x6: {  	s17 =	simm.s32 $0x1;
	s3 =	sand.u32 $0x1, s2;
	s2 =	simm.s32 $0x0  }
0x7: {  	s4 =	sshll.u32 s1, $0x6;
	s7 =	sshll.u32 s3, $0x5;
	[smem:$0x7FF] =	sst s2  }
0x8: {  	s31 =	ssub.s32 $0x2, s3;
	s3 =	sadd.s32 $0x81800, s5;
	s7 =	sor.u32 s7, s4  }
0x9: {  	_ =	strace $0x8000004D;
	s9 =	sshrl.u32 s31, $0x1;
	s8 =	sshrl.u32 s7, $0x3  }
0xa: {  	v2 =	vlaneseq.u32;
	s9 =	ssub.s32 s31, s9;
	s7 =	sshll.u32 s7, $0x6;
	s8 =	sadd.s32 s8, s5  }
0xb: {  	vm0 =	vmmov $0xffff;
	v1 =	vshrl.u32 v2, $0x3;
	s5 =	sadd.s32 $0x81900, s5;
	s6 =	sadd.s32 s6, s7;
	s7 =	smax.u32 s9, $0x1  }
0xc: {  	v0 =	vand.u32 $0x7, v2;
	v2 =	vor.u32 $0x8, v2;
	v1 =	vmul.u32 $0x8, v1;
	s9 =	simm.s32 $0x80;
	s4 =	sadd.s32 $0x1600, s8;
	s8 =	simm.s32 $0x2  }
.LBB2_1:
0xd: {  	[tilespmem:s2], [sflag:$0x2] =	stream.linear.gather [hbm4b:s4+s2], $0x20, $0x38;
	[tilespmem:$0x4080] =	vst v63  }
0xe: {  	_ =	swait.ge [sflag:s8], $0x20  }
0xf: {  	[sflag:s8] =	ssyncset.done $0x0  }
0x10: {  	[sflag:s8] =	ssyncadd.s32 $0xFFFFFFE0  }
0x11: {  	v3 =	vld [tilespmem:$0x0];
	_ =	sdelay $0x4  }
0x12: {  	v4 =	vshll.u32 v3, $0x2  }
0x13: {  	v3 =	vand.u32 $0x7, v3;
	v4 =	vand.u32 $0xFFFFFFE0, v4  }
0x14: {  	v3 =	vor.u32 v3, v4  }
0x15: {  	v4 =	vperm.xlane v3, v0;
	_ =	sdelay $0x1  }
0x16: {  	v4 =	vadd.s32 v1, v4;
	_ =	sdelay $0x1  }
0x17: {  	v3 =	vperm.xlane v3, v2;
	_ =	sdelay $0x1  }
0x18: {  	v3 =	vadd.s32 v1, v3  }
0x19: {  	[tilespmem:s9], [sflag:$0x1] =	stream.indirect_vreg.gather [hbm4b:s3+s2], $0x80, v4, vm0, $0xb8;
	[tilespmem:$0x4080] =	vst v63  }
0x1a: {  	_ = 	snop  }
0x1b: {  	[tilespmem:s10], [sflag:$0x1] =	stream.indirect_vreg.gather [hbm4b:s5+s2], $0x80, v4, vm0, $0xb8;
	[tilespmem:$0x4080] =	vst v63  }
0x1c: {  	_ = 	snop  }
0x1d: {  	[tilespmem:s11], [sflag:$0x1] =	stream.indirect_vreg.gather [hbm4b:s3+s2], $0x80, v3, vm0, $0xb8;
	[tilespmem:$0x4080] =	vst v63  }
0x1e: {  	_ = 	snop  }
0x1f: {  	[tilespmem:s12], [sflag:$0x1] =	stream.indirect_vreg.gather [hbm4b:s5+s2], $0x80, v3, vm0, $0xb8;
	[tilespmem:$0x4080] =	vst v63  }
0x20: {  	v3 =	vld [tilespmem:$0x10];
	_ =	sdelay $0x4  }
0x21: {  	v63 =	vshll.u32 v3, $0x2  }
0x22: {  	v3 =	vand.u32 $0x7, v3;
	v4 =	vand.u32 $0xFFFFFFE0, v63  }
0x23: {  	v3 =	vor.u32 v3, v4  }
0x24: {  	v4 =	vperm.xlane v3, v0;
	_ =	sdelay $0x1  }
0x25: {  	v4 =	vadd.s32 v1, v4;
	_ =	sdelay $0x1  }
0x26: {  	v3 =	vperm.xlane v3, v2;
	_ =	sdelay $0x1  }
0x27: {  	v3 =	vadd.s32 v1, v3  }
0x28: {  	[tilespmem:s13], [sflag:$0x1] =	stream.indirect_vreg.gather [hbm4b:s3+s2], $0x80, v4, vm0, $0xb8;
	[tilespmem:$0x4080] =	vst v63  }
0x29: {  	_ = 	snop  }
0x2a: {  	[tilespmem:s14], [sflag:$0x1] =	stream.indirect_vreg.gather [hbm4b:s5+s2], $0x80, v4, vm0, $0xb8;
	[tilespmem:$0x4080] =	vst v63  }
0x2b: {  	_ = 	snop  }
0x2c: {  	[tilespmem:s15], [sflag:$0x1] =	stream.indirect_vreg.gather [hbm4b:s3+s2], $0x80, v3, vm0, $0xb8;
	[tilespmem:$0x4080] =	vst v63  }
0x2d: {  	_ = 	snop  }
0x2e: {  	[tilespmem:s16], [sflag:$0x1] =	stream.indirect_vreg.gather [hbm4b:s5+s2], $0x80, v3, vm0, $0xb8;
	[tilespmem:$0x4080] =	vst v63  }
0x2f: {  	_ =	swait.ge [sflag:s17], $0x4000  }
0x30: {  	p0 =	sne.s32 s7, $0x1;
	[sflag:s17] =	ssyncset.done $0x0  }
.Ltmp0:
0x31: {  	[sflag:s17] =	ssyncadd.s32 $0xFFFFC000;
	(pc) =	sbr.rel @p0 .LBB2_1-.Ltmp0, $4  }
0x32: {  	[hbm4b:s6+s2] =	stream.linear.scatter [tilespmem:s9], [sflag:$0x2], $0x4000, $0x38;
	[tilespmem:$0x4080] =	vst v63  }
0x33: {  	_ =	swait.ge [sflag:s8], $0x4000  }
0x34: {  	[sflag:s8] =	ssyncset.done $0x0  }
0x35: {  	s7 =	sadd.s32 $0xFFFFFFFF, s7;
	[sflag:s8] =	ssyncadd.s32 $0xFFFFC000  }
0x36: {  	_ =	sfence.sel $0x180000  }
0x37: {  	[bflag:$0x0] =	sbarrier.arrive $0xFFFF  }
0x38: {  	p0 =	sne.s32 s1, $0x0;
	_ =	strace $0x9000004D  }
0x39: {  	s0 =	sadd.s32 @!p0 $0x100000, s0;
	[bflag:$0x2] =	sbarrier.arrive $0xFFFF  }
0x3a: {  	[sflag:s0] =	ssyncadd.tile.s32 @!p0 $0x1;
	_ =	shalt  }
.Lfunc_end2:
_tile_overlayer_lowered:
.L_overlay_start_2:
0x3b: {  	(tag) =	ssettag $0x2  }
0x3c: {  	s0 =	rddreg [dreg:$0x0];
	s2 =	stileid.u32  }
0x3d: {  	s1 =	rddreg [dreg:$0x1];
	p0 =	sne.s32 s2, $0x0  }
0x3e: {  	s3 =	rddreg [dreg:$0x2];
	[bflag:$0x3] =	sbarrier.arrive $0xFFFF;
	s2 =	simm.s32 @!p0 $0x1C02  }
0x3f: {  	[timem:s3], [sflag:s2] =	dma.local @!p0 [hbm:s0], s1  }
0x40: {  	s0 =	simm.s32 @!p0 $0x2  }
0x41: {  	_ =	swait.ge @!p0 [sflag:s0], s1  }
0x42: {  	s1 =	ssub.s32 @!p0 $0x0, s1;
	[sflag:s0] =	ssyncset.done @!p0 $0x0  }
0x43: {  	[sflag:s0] =	ssyncadd.s32 @!p0 s1  }
0x44: {  	[bflag:$0x3] =	sbarrier.arrive $0xFFFF  }
0x45: {  	_ =	shalt  }

</sc_bundles>
